<compile_context>
chip_gen: v7x
topology: tpu7x:2x2x1
jax: 0.10.2.dev20260603
libtpu: 0.0.44.dev20260713+nightly
codegen_flags: <defaults>
</compile_context>

<pallas_src>
import functools

import jax
import jax.numpy as jnp
from jax import lax
from jax.experimental import pallas as pl
from jax.experimental.pallas import tpu as pltpu
from jax.experimental.pallas import tpu_sc as plsc

N = 10000
D = 128
NP = 10240
NC, NS = 2, 16
NW = NC * NS
CH = 128
R = 1024
DW = 128


def _sc_mesh():
    return plsc.VectorSubcoreMesh(
        core_axis_name="c", subcore_axis_name="s", num_cores=NC, num_subcores=NS
    )


def _sc_scatter_rows(h, src3, dst3, zeros_rows, n_ch):
    rpt = NP // NS

    n_g = (n_ch + 1) // 2

    @functools.partial(
        pl.kernel,
        out_type=jax.ShapeDtypeStruct((NC, NP, D), jnp.float32),
        mesh=_sc_mesh(),
        scratch_types=[
            pltpu.VMEM((n_ch, CH), jnp.int32),
            pltpu.VMEM((CH,), jnp.int32),
            pltpu.VMEM((CH,), jnp.int32),
            pltpu.VMEM((CH, D), jnp.float32),
            pltpu.VMEM((CH, D), jnp.float32),
            pltpu.VMEM_SHARED((NP, D), jnp.float32),
            pltpu.SemaphoreType.DMA,
            pltpu.SemaphoreType.DMA,
        ],
    )
    def k(h_hbm, src_hbm, dst_hbm, z_hbm, out_hbm, src_v, d0, d1, r0, r1, acc,
          sem0, sem1):
        cid = lax.axis_index("c")
        sid = lax.axis_index("s")
        wid = cid * NS + sid
        rows = (r0, r1)
        dsts = (d0, d1)
        sems = (sem0, sem1)
        pltpu.sync_copy(src_hbm.at[wid], src_v)
        pltpu.sync_copy(z_hbm.at[pl.ds(sid * rpt, rpt)], acc.at[pl.ds(sid * rpt, rpt)])
        plsc.subcore_barrier()

        pltpu.async_copy(h_hbm.at[src_v.at[0]], rows[0], sems[0])
        pltpu.async_copy(dst_hbm.at[wid, 0], dsts[0], sems[0])

        def body(g, carry):
            for b in range(2):
                j = g * 2 + b
                nxt = j + 1

                @pl.when(nxt < n_ch)
                def _():
                    pltpu.async_copy(
                        h_hbm.at[src_v.at[nxt]], rows[1 - b], sems[1 - b]
                    )
                    pltpu.async_copy(dst_hbm.at[wid, nxt], dsts[1 - b], sems[1 - b])

                @pl.when(j < n_ch)
                def _():
                    pltpu.make_async_copy(
                        h_hbm.at[src_v.at[j]], rows[b], sems[b]
                    ).wait()
                    pltpu.make_async_copy(
                        dst_hbm.at[wid, j], dsts[b], sems[b]
                    ).wait()
                    pltpu.sync_copy(rows[b], acc.at[dsts[b]], add=True)

            return carry

        lax.fori_loop(0, n_g, body, 0)
        plsc.subcore_barrier()
        pltpu.sync_copy(
            acc.at[pl.ds(sid * rpt, rpt)], out_hbm.at[cid, pl.ds(sid * rpt, rpt)]
        )

    return k(h, src3, dst3, zeros_rows)


def _sc_degree(dst3, ones_rows, zeros_rows, n_ch):
    rpt = NP // NS

    @functools.partial(
        pl.kernel,
        out_type=jax.ShapeDtypeStruct((NC, NP, DW), jnp.float32),
        mesh=_sc_mesh(),
        scratch_types=[
            pltpu.VMEM((n_ch, CH), jnp.int32),
            pltpu.VMEM((CH, DW), jnp.float32),
            pltpu.VMEM_SHARED((NP, DW), jnp.float32),
        ],
    )
    def k(dst_hbm, ones_hbm, z_hbm, out_hbm, dst_v, ones_v, acc):
        cid = lax.axis_index("c")
        sid = lax.axis_index("s")
        wid = cid * NS + sid
        pltpu.sync_copy(z_hbm.at[pl.ds(sid * rpt, rpt)], acc.at[pl.ds(sid * rpt, rpt)])
        pltpu.sync_copy(dst_hbm.at[wid], dst_v)
        pltpu.sync_copy(ones_hbm, ones_v)
        plsc.subcore_barrier()

        def body(j, carry):
            pltpu.sync_copy(ones_v, acc.at[dst_v.at[j]], add=True)
            return carry

        lax.fori_loop(0, n_ch, body, 0)
        plsc.subcore_barrier()
        pltpu.sync_copy(
            acc.at[pl.ds(sid * rpt, rpt)], out_hbm.at[cid, pl.ds(sid * rpt, rpt)]
        )

    return k(dst3, ones_rows, zeros_rows)


def _tc_matmul(x, W):

    def body(x_ref, w_ref, o_ref):
        o_ref[...] = jnp.dot(x_ref[...], w_ref[...], preferred_element_type=jnp.float32)

    return pl.pallas_call(
        body,
        grid=(NP // R,),
        in_specs=[
            pl.BlockSpec((R, D), lambda i: (i, 0)),
            pl.BlockSpec((D, D), lambda i: (0, 0)),
        ],
        out_specs=pl.BlockSpec((R, D), lambda i: (i, 0)),
        out_shape=jax.ShapeDtypeStruct((NP, D), jnp.float32),
    )(x, W)


def _tc_scale(deg_parts, h_raw):

    def body(deg_ref, h_ref, h1p_ref, dinv_ref):
        d = deg_ref[...]
        degsum = d[0, :, 0:1] + d[1, :, 0:1] + 1.0
        dinvb = jnp.broadcast_to(lax.rsqrt(degsum), (R, D))
        dinv_ref[...] = dinvb
        h1p_ref[...] = h_ref[...] * dinvb

    return pl.pallas_call(
        body,
        grid=(NP // R,),
        in_specs=[
            pl.BlockSpec((NC, R, DW), lambda i: (0, i, 0)),
            pl.BlockSpec((R, D), lambda i: (i, 0)),
        ],
        out_specs=[
            pl.BlockSpec((R, D), lambda i: (i, 0)),
            pl.BlockSpec((R, D), lambda i: (i, 0)),
        ],
        out_shape=[
            jax.ShapeDtypeStruct((NP, D), jnp.float32),
            jax.ShapeDtypeStruct((NP, D), jnp.float32),
        ],
    )(deg_parts, h_raw)


def _tc_combine_mm(s_parts, hp, dinvb, b2d, W):

    def body(s_ref, hp_ref, dinv_ref, b_ref, w_ref, o_ref):
        dinv = dinv_ref[...]
        h1 = jnp.maximum((s_ref[0] + s_ref[1] + hp_ref[...]) * dinv + b_ref[...], 0.0)
        o_ref[...] = (
            jnp.dot(h1, w_ref[...], preferred_element_type=jnp.float32) * dinv
        )

    return pl.pallas_call(
        body,
        grid=(NP // R,),
        in_specs=[
            pl.BlockSpec((NC, R, D), lambda i: (0, i, 0)),
            pl.BlockSpec((R, D), lambda i: (i, 0)),
            pl.BlockSpec((R, D), lambda i: (i, 0)),
            pl.BlockSpec((1, D), lambda i: (0, 0)),
            pl.BlockSpec((D, D), lambda i: (0, 0)),
        ],
        out_specs=pl.BlockSpec((R, D), lambda i: (i, 0)),
        out_shape=jax.ShapeDtypeStruct((NP, D), jnp.float32),
    )(s_parts, hp, dinvb, b2d, W)


def _tc_combine(s_parts, hp, dinvb, b2d, relu):

    def body(s_ref, hp_ref, dinv_ref, b_ref, o_ref):
        t = (s_ref[0] + s_ref[1] + hp_ref[...]) * dinv_ref[...] + b_ref[...]
        o_ref[...] = jnp.maximum(t, 0.0) if relu else t

    return pl.pallas_call(
        body,
        grid=(NP // R,),
        in_specs=[
            pl.BlockSpec((NC, R, D), lambda i: (0, i, 0)),
            pl.BlockSpec((R, D), lambda i: (i, 0)),
            pl.BlockSpec((R, D), lambda i: (i, 0)),
            pl.BlockSpec((1, D), lambda i: (0, 0)),
        ],
        out_specs=pl.BlockSpec((R, D), lambda i: (i, 0)),
        out_shape=jax.ShapeDtypeStruct((N, D), jnp.float32),
    )(s_parts, hp, dinvb, b2d)


def kernel(x, edge_index, W1, b1, W2, b2):
    E = edge_index.shape[1]
    n_ch = -(-E // (NW * CH))
    e_pad = NW * n_ch * CH

    pad = N + jnp.arange(e_pad - E, dtype=edge_index.dtype) % (NP - N)
    src3 = jnp.concatenate([edge_index[0], pad]).reshape(NW, n_ch, CH)
    dst3 = jnp.concatenate([edge_index[1], pad]).reshape(NW, n_ch, CH)

    xp = jnp.pad(x, ((0, NP - N), (0, 0)))
    zeros_rows = jnp.zeros((NP, D), jnp.float32)
    zeros_dw = jnp.zeros((NP, DW), jnp.float32)
    ones_dw = jnp.ones((CH, DW), jnp.float32)
    b1_2d = b1.reshape(1, D)
    b2_2d = b2.reshape(1, D)

    h_raw = _tc_matmul(xp, W1)
    deg_parts = _sc_degree(dst3, ones_dw, zeros_dw, n_ch)
    h1p, dinvb = _tc_scale(deg_parts, h_raw)

    s1 = _sc_scatter_rows(h1p, src3, dst3, zeros_rows, n_ch)
    h2p = _tc_combine_mm(s1, h1p, dinvb, b1_2d, W2)

    s2 = _sc_scatter_rows(h2p, src3, dst3, zeros_rows, n_ch)
    return _tc_combine(s2, h2p, dinvb, b2_2d, relu=False)

# --- scband reference (transcript-rebuilt; emitter-appended) ---
"""Pipeline reference for scband-gcn-9414568312940 (READ-ONLY COPY).

The authoritative reference and input builder live on the scoring server;
editing this copy changes nothing except your own understanding.
"""

import jax, jax.numpy as jnp
import numpy as np

N = 10000
E = 320000
D_IN = 128
D_HID = 128
D_OUT = 128


def _glorot(key, fan_in, fan_out):
    scale = jnp.sqrt(2.0 / (fan_in + fan_out))
    return jax.random.normal(key, (fan_in, fan_out), dtype=jnp.float32) * scale


def setup_inputs(seed: int = 0) -> dict:
    key = jax.random.key(seed)
    k1, k2, k3, k4 = jax.random.split(key, 4)
    x = jax.random.normal(k1, (N, D_IN), dtype=jnp.float32)
    edge_index = jax.random.randint(k2, (2, E), 0, N, dtype=jnp.int32)
    W1 = _glorot(k3, D_IN, D_HID)
    b1 = jnp.zeros((D_HID,), dtype=jnp.float32)
    W2 = _glorot(k4, D_HID, D_OUT)
    b2 = jnp.zeros((D_OUT,), dtype=jnp.float32)
    return {"x": x, "edge_index": edge_index, "W1": W1, "b1": b1, "W2": W2, "b2": b2}


def _gcn_conv(x, edge_index, W, b):
    # Faithful PyG GCNConv: add self-loops, symmetric D^{-1/2} A D^{-1/2} norm,
    # linear transform (no bias), scatter-add aggregation, then bias.
    n = x.shape[0]
    loop = jnp.arange(n, dtype=edge_index.dtype)
    src = jnp.concatenate([edge_index[0], loop])
    dst = jnp.concatenate([edge_index[1], loop])
    deg = jnp.zeros((n,), dtype=x.dtype).at[dst].add(1.0)
    dinv = jnp.where(deg > 0, jax.lax.rsqrt(deg), 0.0)
    norm = dinv[src] * dinv[dst]
    h = x @ W
    msg = h[src] * norm[:, None]
    out = jnp.zeros((n, W.shape[1]), dtype=x.dtype).at[dst].add(msg)
    return out + b


def reference(x, edge_index, W1, b1, W2, b2):
    # Dropout(p=0.5) is identity in eval mode.
    h = _gcn_conv(x, edge_index, W1, b1)
    h = jax.nn.relu(h)
    out = _gcn_conv(h, edge_index, W2, b2)
    return out

if __name__ == "__main__":
    import jax
    _d = setup_inputs()
    print(jax.jit(kernel)(*tuple(_d.values())))

</pallas_src>

<mosaic_0001>
#map = affine_map<(d0, d1) -> (0, 0)>
#map1 = affine_map<(d0, d1) -> (0, 0, 0)>
module attributes {stable_mosaic.version = 14 : i64} {
  func.func @k(%arg0: i32, %arg1: i32, %arg2: memref<10240x128xf32, #tpu.memory_space<hbm>>, %arg3: memref<32x79x128xi32, #tpu.memory_space<hbm>>, %arg4: memref<32x79x128xi32, #tpu.memory_space<hbm>>, %arg5: memref<10240x128xf32, #tpu.memory_space<hbm>>, %arg6: memref<2x10240x128xf32, #tpu.memory_space<hbm>>, %arg7: memref<79x128xi32, #tpu.memory_space<vmem>>, %arg8: memref<128xi32, #tpu.memory_space<vmem>>, %arg9: memref<128xi32, #tpu.memory_space<vmem>>, %arg10: memref<128x128xf32, #tpu.memory_space<vmem>>, %arg11: memref<128x128xf32, #tpu.memory_space<vmem>>, %arg12: memref<10240x128xf32, #tpu.memory_space<vmem_shared>>, %arg13: memref<!tpu.dma_semaphore, #tpu.memory_space<semaphore_mem>>, %arg14: memref<!tpu.dma_semaphore, #tpu.memory_space<semaphore_mem>>) attributes {dimension_semantics = [#tpu.dimension_semantics<core_parallel>, #tpu.dimension_semantics<subcore_parallel>], iteration_bounds = array<i64: 2, 16>, scalar_prefetch = 0 : i64, scratch_operands = 8 : i64, tpu.core_type = #tpu.core_type<sc_vector_subcore>, window_params = [{transform_indices = #map}, {transform_indices = #map1}, {transform_indices = #map1}, {transform_indices = #map}, {transform_indices = #map1}]} {
    %mul3A = arith.constant 16 : i32
    %mul3A_0 = arith.muli %arg0, %mul3A : i32
    %add3A = arith.addi %mul3A_0, %arg1 : i32
    "tpu.region"() ({
      %run_scoped3A = tpu.sem_alloc : memref<!tpu.dma_semaphore, #tpu.memory_space<semaphore_mem>>
      %dma_start3A_28 = arith.constant 0 : i32
      %dma_start3A_29 = arith.constant 0 : i32
      %dma_start3A_30 = tpu.memref_slice %arg3[%add3A, %dma_start3A_28, %dma_start3A_29] : memref<32x79x128xi32, #tpu.memory_space<hbm>> -> memref<1x79x128xi32, #tpu.memory_space<hbm>>
      %dma_start3A_31 = tpu.memref_squeeze %dma_start3A_30 : memref<1x79x128xi32, #tpu.memory_space<hbm>> -> memref<79x128xi32, #tpu.memory_space<hbm>>
      %dma_start3A_32 = arith.constant 0 : i32
      %dma_start3A_33 = arith.constant 0 : i32
      %dma_start3A_34 = tpu.memref_slice %arg3[%add3A, %dma_start3A_32, %dma_start3A_33] : memref<32x79x128xi32, #tpu.memory_space<hbm>> -> memref<1x79x128xi32, #tpu.memory_space<hbm>>
      %dma_start3A_35 = tpu.memref_squeeze %dma_start3A_34 : memref<1x79x128xi32, #tpu.memory_space<hbm>> -> memref<79x128xi32, #tpu.memory_space<hbm>>
      tpu.enqueue_dma source(%dma_start3A_35 : memref<79x128xi32, #tpu.memory_space<hbm>>) target(%arg7 : memref<79x128xi32, #tpu.memory_space<vmem>>) target_semaphore(%run_scoped3A : memref<!tpu.dma_semaphore, #tpu.memory_space<semaphore_mem>>)
      %dma_wait3A = arith.constant 0 : i32
      %dma_wait3A_36 = arith.constant 0 : i32
      %dma_wait3A_37 = tpu.memref_slice %arg3[%add3A, %dma_wait3A, %dma_wait3A_36] : memref<32x79x128xi32, #tpu.memory_space<hbm>> -> memref<1x79x128xi32, #tpu.memory_space<hbm>>
      %dma_wait3A_38 = tpu.memref_squeeze %dma_wait3A_37 : memref<1x79x128xi32, #tpu.memory_space<hbm>> -> memref<79x128xi32, #tpu.memory_space<hbm>>
      %dma_wait3A_39 = arith.constant 0 : i32
      %dma_wait3A_40 = arith.constant 0 : i32
      %dma_wait3A_41 = tpu.memref_slice %arg3[%add3A, %dma_wait3A_39, %dma_wait3A_40] : memref<32x79x128xi32, #tpu.memory_space<hbm>> -> memref<1x79x128xi32, #tpu.memory_space<hbm>>
      %dma_wait3A_42 = tpu.memref_squeeze %dma_wait3A_41 : memref<1x79x128xi32, #tpu.memory_space<hbm>> -> memref<79x128xi32, #tpu.memory_space<hbm>>
      tpu.wait_dma2 semaphore(%run_scoped3A : memref<!tpu.dma_semaphore, #tpu.memory_space<semaphore_mem>>) src(%dma_wait3A_42 : memref<79x128xi32, #tpu.memory_space<hbm>>) dst(%arg7 : memref<79x128xi32, #tpu.memory_space<vmem>>)
      tpu.yield
    }) : () -> ()
    %mul3A_1 = arith.constant 640 : i32
    %mul3A_2 = arith.muli %arg1, %mul3A_1 : i32
    %mul3A_3 = arith.constant 640 : i32
    %mul3A_4 = arith.muli %arg1, %mul3A_3 : i32
    "tpu.region"() ({
      %run_scoped3A = tpu.sem_alloc : memref<!tpu.dma_semaphore, #tpu.memory_space<semaphore_mem>>
      %dma_start3A_28 = arith.constant 0 : i32
      %dma_start3A_29 = tpu.memref_slice %arg12[%mul3A_4, %dma_start3A_28] : memref<10240x128xf32, #tpu.memory_space<vmem_shared>> -> memref<640x128xf32, #tpu.memory_space<vmem_shared>>
      %dma_start3A_30 = arith.constant 0 : i32
      %dma_start3A_31 = tpu.memref_slice %arg5[%mul3A_2, %dma_start3A_30] : memref<10240x128xf32, #tpu.memory_space<hbm>> -> memref<640x128xf32, #tpu.memory_space<hbm>>
      tpu.enqueue_dma source(%dma_start3A_31 : memref<640x128xf32, #tpu.memory_space<hbm>>) target(%dma_start3A_29 : memref<640x128xf32, #tpu.memory_space<vmem_shared>>) target_semaphore(%run_scoped3A : memref<!tpu.dma_semaphore, #tpu.memory_space<semaphore_mem>>)
      %dma_wait3A = arith.constant 0 : i32
      %dma_wait3A_32 = tpu.memref_slice %arg12[%mul3A_4, %dma_wait3A] : memref<10240x128xf32, #tpu.memory_space<vmem_shared>> -> memref<640x128xf32, #tpu.memory_space<vmem_shared>>
      %dma_wait3A_33 = arith.constant 0 : i32
      %dma_wait3A_34 = tpu.memref_slice %arg5[%mul3A_2, %dma_wait3A_33] : memref<10240x128xf32, #tpu.memory_space<hbm>> -> memref<640x128xf32, #tpu.memory_space<hbm>>
      tpu.wait_dma2 semaphore(%run_scoped3A : memref<!tpu.dma_semaphore, #tpu.memory_space<semaphore_mem>>) src(%dma_wait3A_34 : memref<640x128xf32, #tpu.memory_space<hbm>>) dst(%dma_wait3A_32 : memref<640x128xf32, #tpu.memory_space<vmem_shared>>)
      tpu.yield
    }) : () -> ()
    %barrier3A = arith.constant 0 : index
    tpu.barrier barrier_id(%barrier3A)
    %dma_start3A = arith.constant 0 : i32
    %dma_start3A_5 = arith.constant 0 : i32
    %dma_start3A_6 = tpu.memref_slice %arg7[%dma_start3A, %dma_start3A_5] : memref<79x128xi32, #tpu.memory_space<vmem>> -> memref<1x128xi32, #tpu.memory_space<vmem>>
    %dma_start3A_7 = tpu.memref_squeeze %dma_start3A_6 : memref<1x128xi32, #tpu.memory_space<vmem>> -> memref<128xi32, #tpu.memory_space<vmem>>
    %dma_start3A_8 = arith.constant 0 : i32
    %dma_start3A_9 = arith.constant 0 : i32
    %dma_start3A_10 = tpu.memref_slice %arg2[%dma_start3A_8, %dma_start3A_9] : memref<10240x128xf32, #tpu.memory_space<hbm>> -> memref<10240x128xf32, #tpu.memory_space<hbm>>
    tpu.enqueue_indirect_dma source(%dma_start3A_10 : memref<10240x128xf32, #tpu.memory_space<hbm>>) target(%arg10 : memref<128x128xf32, #tpu.memory_space<vmem>>) offsets(%dma_start3A_7 : memref<128xi32, #tpu.memory_space<vmem>>) semaphore(%arg13 : memref<!tpu.dma_semaphore, #tpu.memory_space<semaphore_mem>>)
    %dma_start3A_11 = arith.constant 0 : i32
    %dma_start3A_12 = arith.constant 0 : i32
    %dma_start3A_13 = tpu.memref_slice %arg4[%add3A, %dma_start3A_11, %dma_start3A_12] : memref<32x79x128xi32, #tpu.memory_space<hbm>> -> memref<1x1x128xi32, #tpu.memory_space<hbm>>
    %dma_start3A_14 = tpu.memref_squeeze %dma_start3A_13 : memref<1x1x128xi32, #tpu.memory_space<hbm>> -> memref<128xi32, #tpu.memory_space<hbm>>
    %dma_start3A_15 = arith.constant 0 : i32
    %dma_start3A_16 = tpu.memref_slice %arg4[%add3A, %dma_start3A_11, %dma_start3A_15] : memref<32x79x128xi32, #tpu.memory_space<hbm>> -> memref<1x1x128xi32, #tpu.memory_space<hbm>>
    %dma_start3A_17 = tpu.memref_squeeze %dma_start3A_16 : memref<1x1x128xi32, #tpu.memory_space<hbm>> -> memref<128xi32, #tpu.memory_space<hbm>>
    tpu.enqueue_dma source(%dma_start3A_17 : memref<128xi32, #tpu.memory_space<hbm>>) target(%arg8 : memref<128xi32, #tpu.memory_space<vmem>>) target_semaphore(%arg13 : memref<!tpu.dma_semaphore, #tpu.memory_space<semaphore_mem>>)
    %scan3A = arith.constant 0 : i32
    %scan3A_18 = arith.constant 0 : i32
    %scan3A_19 = arith.constant 40 : i32
    %scan3A_20 = arith.addi %scan3A_18, %scan3A_19 : i32
    %scan3A_21 = arith.constant 1 : i32
    scf.for %scan3A_28 = %scan3A_18 to %scan3A_20 step %scan3A_21  : i32 {
      %mul3A_29 = arith.constant 2 : i32
      %mul3A_30 = arith.muli %scan3A_28, %mul3A_29 : i32
      %add3A_31 = arith.constant 0 : i32
      %add3A_32 = arith.addi %mul3A_30, %add3A_31 : i32
      %add3A_33 = arith.constant 1 : i32
      %add3A_34 = arith.addi %add3A_32, %add3A_33 : i32
      %lt3A = arith.constant 79 : i32
      %lt3A_35 = arith.cmpi slt, %add3A_34, %lt3A : i32
      %convert_element_type3A = arith.extui %lt3A_35 : i1 to i32
      %cond3A = arith.constant 0 : i32
      %cond3A_36 = arith.cmpi ne, %convert_element_type3A, %cond3A : i32
      scf.if %cond3A_36 {
        %dma_start3A_58 = arith.constant 0 : i32
        %dma_start3A_59 = tpu.memref_slice %arg7[%add3A_34, %dma_start3A_58] : memref<79x128xi32, #tpu.memory_space<vmem>> -> memref<1x128xi32, #tpu.memory_space<vmem>>
        %dma_start3A_60 = tpu.memref_squeeze %dma_start3A_59 : memref<1x128xi32, #tpu.memory_space<vmem>> -> memref<128xi32, #tpu.memory_space<vmem>>
        %dma_start3A_61 = arith.constant 0 : i32
        %dma_start3A_62 = arith.constant 0 : i32
        %dma_start3A_63 = tpu.memref_slice %arg2[%dma_start3A_61, %dma_start3A_62] : memref<10240x128xf32, #tpu.memory_space<hbm>> -> memref<10240x128xf32, #tpu.memory_space<hbm>>
        tpu.enqueue_indirect_dma source(%dma_start3A_63 : memref<10240x128xf32, #tpu.memory_space<hbm>>) target(%arg11 : memref<128x128xf32, #tpu.memory_space<vmem>>) offsets(%dma_start3A_60 : memref<128xi32, #tpu.memory_space<vmem>>) semaphore(%arg14 : memref<!tpu.dma_semaphore, #tpu.memory_space<semaphore_mem>>)
        %dma_start3A_64 = arith.constant 0 : i32
        %dma_start3A_65 = tpu.memref_slice %arg4[%add3A, %add3A_34, %dma_start3A_64] : memref<32x79x128xi32, #tpu.memory_space<hbm>> -> memref<1x1x128xi32, #tpu.memory_space<hbm>>
        %dma_start3A_66 = tpu.memref_squeeze %dma_start3A_65 : memref<1x1x128xi32, #tpu.memory_space<hbm>> -> memref<128xi32, #tpu.memory_space<hbm>>
        %dma_start3A_67 = arith.constant 0 : i32
        %dma_start3A_68 = tpu.memref_slice %arg4[%add3A, %add3A_34, %dma_start3A_67] : memref<32x79x128xi32, #tpu.memory_space<hbm>> -> memref<1x1x128xi32, #tpu.memory_space<hbm>>
        %dma_start3A_69 = tpu.memref_squeeze %dma_start3A_68 : memref<1x1x128xi32, #tpu.memory_space<hbm>> -> memref<128xi32, #tpu.memory_space<hbm>>
        tpu.enqueue_dma source(%dma_start3A_69 : memref<128xi32, #tpu.memory_space<hbm>>) target(%arg9 : memref<128xi32, #tpu.memory_space<vmem>>) target_semaphore(%arg14 : memref<!tpu.dma_semaphore, #tpu.memory_space<semaphore_mem>>)
      } else {
      }
      %lt3A_37 = arith.constant 79 : i32
      %lt3A_38 = arith.cmpi slt, %add3A_32, %lt3A_37 : i32
      %convert_element_type3A_39 = arith.extui %lt3A_38 : i1 to i32
      %cond3A_40 = arith.constant 0 : i32
      %cond3A_41 = arith.cmpi ne, %convert_element_type3A_39, %cond3A_40 : i32
      scf.if %cond3A_41 {
        %dma_wait3A = arith.constant 0 : i32
        %dma_wait3A_58 = tpu.memref_slice %arg7[%add3A_32, %dma_wait3A] : memref<79x128xi32, #tpu.memory_space<vmem>> -> memref<1x128xi32, #tpu.memory_space<vmem>>
        %dma_wait3A_59 = tpu.memref_squeeze %dma_wait3A_58 : memref<1x128xi32, #tpu.memory_space<vmem>> -> memref<128xi32, #tpu.memory_space<vmem>>
        %dma_wait3A_60 = arith.constant 0 : i32
        %dma_wait3A_61 = arith.constant 0 : i32
        %dma_wait3A_62 = tpu.memref_slice %arg2[%dma_wait3A_60, %dma_wait3A_61] : memref<10240x128xf32, #tpu.memory_space<hbm>> -> memref<10240x128xf32, #tpu.memory_space<hbm>>
        tpu.wait_indirect_dma semaphore(%arg13 : memref<!tpu.dma_semaphore, #tpu.memory_space<semaphore_mem>>) src(%dma_wait3A_62 : memref<10240x128xf32, #tpu.memory_space<hbm>>) dst(%arg10 : memref<128x128xf32, #tpu.memory_space<vmem>>)
        %dma_wait3A_63 = arith.constant 0 : i32
        %dma_wait3A_64 = tpu.memref_slice %arg4[%add3A, %add3A_32, %dma_wait3A_63] : memref<32x79x128xi32, #tpu.memory_space<hbm>> -> memref<1x1x128xi32, #tpu.memory_space<hbm>>
        %dma_wait3A_65 = tpu.memref_squeeze %dma_wait3A_64 : memref<1x1x128xi32, #tpu.memory_space<hbm>> -> memref<128xi32, #tpu.memory_space<hbm>>
        %dma_wait3A_66 = arith.constant 0 : i32
        %dma_wait3A_67 = tpu.memref_slice %arg4[%add3A, %add3A_32, %dma_wait3A_66] : memref<32x79x128xi32, #tpu.memory_space<hbm>> -> memref<1x1x128xi32, #tpu.memory_space<hbm>>
        %dma_wait3A_68 = tpu.memref_squeeze %dma_wait3A_67 : memref<1x1x128xi32, #tpu.memory_space<hbm>> -> memref<128xi32, #tpu.memory_space<hbm>>
        tpu.wait_dma2 semaphore(%arg13 : memref<!tpu.dma_semaphore, #tpu.memory_space<semaphore_mem>>) src(%dma_wait3A_68 : memref<128xi32, #tpu.memory_space<hbm>>) dst(%arg8 : memref<128xi32, #tpu.memory_space<vmem>>)
        "tpu.region"() ({
          %run_scoped3A = tpu.sem_alloc : memref<!tpu.dma_semaphore, #tpu.memory_space<semaphore_mem>>
          %dma_start3A_69 = arith.constant 0 : i32
          %dma_start3A_70 = arith.constant 0 : i32
          %dma_start3A_71 = tpu.memref_slice %arg12[%dma_start3A_69, %dma_start3A_70] : memref<10240x128xf32, #tpu.memory_space<vmem_shared>> -> memref<10240x128xf32, #tpu.memory_space<vmem_shared>>
          tpu.enqueue_indirect_dma source(%arg10 : memref<128x128xf32, #tpu.memory_space<vmem>>) target(%dma_start3A_71 : memref<10240x128xf32, #tpu.memory_space<vmem_shared>>) offsets(%arg8 : memref<128xi32, #tpu.memory_space<vmem>>) semaphore(%run_scoped3A : memref<!tpu.dma_semaphore, #tpu.memory_space<semaphore_mem>>) {add = true}
          %dma_wait3A_72 = arith.constant 0 : i32
          %dma_wait3A_73 = arith.constant 0 : i32
          %dma_wait3A_74 = tpu.memref_slice %arg12[%dma_wait3A_72, %dma_wait3A_73] : memref<10240x128xf32, #tpu.memory_space<vmem_shared>> -> memref<10240x128xf32, #tpu.memory_space<vmem_shared>>
          tpu.wait_indirect_dma semaphore(%run_scoped3A : memref<!tpu.dma_semaphore, #tpu.memory_space<semaphore_mem>>) src(%arg10 : memref<128x128xf32, #tpu.memory_space<vmem>>) dst(%dma_wait3A_74 : memref<10240x128xf32, #tpu.memory_space<vmem_shared>>)
          tpu.yield
        }) : () -> ()
      } else {
      }
      %mul3A_42 = arith.constant 2 : i32
      %mul3A_43 = arith.muli %scan3A_28, %mul3A_42 : i32
      %add3A_44 = arith.constant 1 : i32
      %add3A_45 = arith.addi %mul3A_43, %add3A_44 : i32
      %add3A_46 = arith.constant 1 : i32
      %add3A_47 = arith.addi %add3A_45, %add3A_46 : i32
      %lt3A_48 = arith.constant 79 : i32
      %lt3A_49 = arith.cmpi slt, %add3A_47, %lt3A_48 : i32
      %convert_element_type3A_50 = arith.extui %lt3A_49 : i1 to i32
      %cond3A_51 = arith.constant 0 : i32
      %cond3A_52 = arith.cmpi ne, %convert_element_type3A_50, %cond3A_51 : i32
      scf.if %cond3A_52 {
        %dma_start3A_58 = arith.constant 0 : i32
        %dma_start3A_59 = tpu.memref_slice %arg7[%add3A_47, %dma_start3A_58] : memref<79x128xi32, #tpu.memory_space<vmem>> -> memref<1x128xi32, #tpu.memory_space<vmem>>
        %dma_start3A_60 = tpu.memref_squeeze %dma_start3A_59 : memref<1x128xi32, #tpu.memory_space<vmem>> -> memref<128xi32, #tpu.memory_space<vmem>>
        %dma_start3A_61 = arith.constant 0 : i32
        %dma_start3A_62 = arith.constant 0 : i32
        %dma_start3A_63 = tpu.memref_slice %arg2[%dma_start3A_61, %dma_start3A_62] : memref<10240x128xf32, #tpu.memory_space<hbm>> -> memref<10240x128xf32, #tpu.memory_space<hbm>>
        tpu.enqueue_indirect_dma source(%dma_start3A_63 : memref<10240x128xf32, #tpu.memory_space<hbm>>) target(%arg10 : memref<128x128xf32, #tpu.memory_space<vmem>>) offsets(%dma_start3A_60 : memref<128xi32, #tpu.memory_space<vmem>>) semaphore(%arg13 : memref<!tpu.dma_semaphore, #tpu.memory_space<semaphore_mem>>)
        %dma_start3A_64 = arith.constant 0 : i32
        %dma_start3A_65 = tpu.memref_slice %arg4[%add3A, %add3A_47, %dma_start3A_64] : memref<32x79x128xi32, #tpu.memory_space<hbm>> -> memref<1x1x128xi32, #tpu.memory_space<hbm>>
        %dma_start3A_66 = tpu.memref_squeeze %dma_start3A_65 : memref<1x1x128xi32, #tpu.memory_space<hbm>> -> memref<128xi32, #tpu.memory_space<hbm>>
        %dma_start3A_67 = arith.constant 0 : i32
        %dma_start3A_68 = tpu.memref_slice %arg4[%add3A, %add3A_47, %dma_start3A_67] : memref<32x79x128xi32, #tpu.memory_space<hbm>> -> memref<1x1x128xi32, #tpu.memory_space<hbm>>
        %dma_start3A_69 = tpu.memref_squeeze %dma_start3A_68 : memref<1x1x128xi32, #tpu.memory_space<hbm>> -> memref<128xi32, #tpu.memory_space<hbm>>
        tpu.enqueue_dma source(%dma_start3A_69 : memref<128xi32, #tpu.memory_space<hbm>>) target(%arg8 : memref<128xi32, #tpu.memory_space<vmem>>) target_semaphore(%arg13 : memref<!tpu.dma_semaphore, #tpu.memory_space<semaphore_mem>>)
      } else {
      }
      %lt3A_53 = arith.constant 79 : i32
      %lt3A_54 = arith.cmpi slt, %add3A_45, %lt3A_53 : i32
      %convert_element_type3A_55 = arith.extui %lt3A_54 : i1 to i32
      %cond3A_56 = arith.constant 0 : i32
      %cond3A_57 = arith.cmpi ne, %convert_element_type3A_55, %cond3A_56 : i32
      scf.if %cond3A_57 {
        %dma_wait3A = arith.constant 0 : i32
        %dma_wait3A_58 = tpu.memref_slice %arg7[%add3A_45, %dma_wait3A] : memref<79x128xi32, #tpu.memory_space<vmem>> -> memref<1x128xi32, #tpu.memory_space<vmem>>
        %dma_wait3A_59 = tpu.memref_squeeze %dma_wait3A_58 : memref<1x128xi32, #tpu.memory_space<vmem>> -> memref<128xi32, #tpu.memory_space<vmem>>
        %dma_wait3A_60 = arith.constant 0 : i32
        %dma_wait3A_61 = arith.constant 0 : i32
        %dma_wait3A_62 = tpu.memref_slice %arg2[%dma_wait3A_60, %dma_wait3A_61] : memref<10240x128xf32, #tpu.memory_space<hbm>> -> memref<10240x128xf32, #tpu.memory_space<hbm>>
        tpu.wait_indirect_dma semaphore(%arg14 : memref<!tpu.dma_semaphore, #tpu.memory_space<semaphore_mem>>) src(%dma_wait3A_62 : memref<10240x128xf32, #tpu.memory_space<hbm>>) dst(%arg11 : memref<128x128xf32, #tpu.memory_space<vmem>>)
        %dma_wait3A_63 = arith.constant 0 : i32
        %dma_wait3A_64 = tpu.memref_slice %arg4[%add3A, %add3A_45, %dma_wait3A_63] : memref<32x79x128xi32, #tpu.memory_space<hbm>> -> memref<1x1x128xi32, #tpu.memory_space<hbm>>
        %dma_wait3A_65 = tpu.memref_squeeze %dma_wait3A_64 : memref<1x1x128xi32, #tpu.memory_space<hbm>> -> memref<128xi32, #tpu.memory_space<hbm>>
        %dma_wait3A_66 = arith.constant 0 : i32
        %dma_wait3A_67 = tpu.memref_slice %arg4[%add3A, %add3A_45, %dma_wait3A_66] : memref<32x79x128xi32, #tpu.memory_space<hbm>> -> memref<1x1x128xi32, #tpu.memory_space<hbm>>
        %dma_wait3A_68 = tpu.memref_squeeze %dma_wait3A_67 : memref<1x1x128xi32, #tpu.memory_space<hbm>> -> memref<128xi32, #tpu.memory_space<hbm>>
        tpu.wait_dma2 semaphore(%arg14 : memref<!tpu.dma_semaphore, #tpu.memory_space<semaphore_mem>>) src(%dma_wait3A_68 : memref<128xi32, #tpu.memory_space<hbm>>) dst(%arg9 : memref<128xi32, #tpu.memory_space<vmem>>)
        "tpu.region"() ({
          %run_scoped3A = tpu.sem_alloc : memref<!tpu.dma_semaphore, #tpu.memory_space<semaphore_mem>>
          %dma_start3A_69 = arith.constant 0 : i32
          %dma_start3A_70 = arith.constant 0 : i32
          %dma_start3A_71 = tpu.memref_slice %arg12[%dma_start3A_69, %dma_start3A_70] : memref<10240x128xf32, #tpu.memory_space<vmem_shared>> -> memref<10240x128xf32, #tpu.memory_space<vmem_shared>>
          tpu.enqueue_indirect_dma source(%arg11 : memref<128x128xf32, #tpu.memory_space<vmem>>) target(%dma_start3A_71 : memref<10240x128xf32, #tpu.memory_space<vmem_shared>>) offsets(%arg9 : memref<128xi32, #tpu.memory_space<vmem>>) semaphore(%run_scoped3A : memref<!tpu.dma_semaphore, #tpu.memory_space<semaphore_mem>>) {add = true}
          %dma_wait3A_72 = arith.constant 0 : i32
          %dma_wait3A_73 = arith.constant 0 : i32
          %dma_wait3A_74 = tpu.memref_slice %arg12[%dma_wait3A_72, %dma_wait3A_73] : memref<10240x128xf32, #tpu.memory_space<vmem_shared>> -> memref<10240x128xf32, #tpu.memory_space<vmem_shared>>
          tpu.wait_indirect_dma semaphore(%run_scoped3A : memref<!tpu.dma_semaphore, #tpu.memory_space<semaphore_mem>>) src(%arg11 : memref<128x128xf32, #tpu.memory_space<vmem>>) dst(%dma_wait3A_74 : memref<10240x128xf32, #tpu.memory_space<vmem_shared>>)
          tpu.yield
        }) : () -> ()
      } else {
      }
    }
    %scan3A_22 = arith.constant 40 : i32
    %barrier3A_23 = arith.constant 0 : index
    tpu.barrier barrier_id(%barrier3A_23)
    %mul3A_24 = arith.constant 640 : i32
    %mul3A_25 = arith.muli %arg1, %mul3A_24 : i32
    %mul3A_26 = arith.constant 640 : i32
    %mul3A_27 = arith.muli %arg1, %mul3A_26 : i32
    "tpu.region"() ({
      %run_scoped3A = tpu.sem_alloc : memref<!tpu.dma_semaphore, #tpu.memory_space<semaphore_mem>>
      %dma_start3A_28 = arith.constant 0 : i32
      %dma_start3A_29 = tpu.memref_slice %arg6[%arg0, %mul3A_27, %dma_start3A_28] : memref<2x10240x128xf32, #tpu.memory_space<hbm>> -> memref<1x640x128xf32, #tpu.memory_space<hbm>>
      %dma_start3A_30 = tpu.memref_squeeze %dma_start3A_29 : memref<1x640x128xf32, #tpu.memory_space<hbm>> -> memref<640x128xf32, #tpu.memory_space<hbm>>
      %dma_start3A_31 = arith.constant 0 : i32
      %dma_start3A_32 = tpu.memref_slice %arg12[%mul3A_25, %dma_start3A_31] : memref<10240x128xf32, #tpu.memory_space<vmem_shared>> -> memref<640x128xf32, #tpu.memory_space<vmem_shared>>
      tpu.enqueue_dma source(%dma_start3A_32 : memref<640x128xf32, #tpu.memory_space<vmem_shared>>) target(%dma_start3A_30 : memref<640x128xf32, #tpu.memory_space<hbm>>) target_semaphore(%run_scoped3A : memref<!tpu.dma_semaphore, #tpu.memory_space<semaphore_mem>>)
      %dma_wait3A = arith.constant 0 : i32
      %dma_wait3A_33 = tpu.memref_slice %arg6[%arg0, %mul3A_27, %dma_wait3A] : memref<2x10240x128xf32, #tpu.memory_space<hbm>> -> memref<1x640x128xf32, #tpu.memory_space<hbm>>
      %dma_wait3A_34 = tpu.memref_squeeze %dma_wait3A_33 : memref<1x640x128xf32, #tpu.memory_space<hbm>> -> memref<640x128xf32, #tpu.memory_space<hbm>>
      %dma_wait3A_35 = arith.constant 0 : i32
      %dma_wait3A_36 = tpu.memref_slice %arg12[%mul3A_25, %dma_wait3A_35] : memref<10240x128xf32, #tpu.memory_space<vmem_shared>> -> memref<640x128xf32, #tpu.memory_space<vmem_shared>>
      tpu.wait_dma2 semaphore(%run_scoped3A : memref<!tpu.dma_semaphore, #tpu.memory_space<semaphore_mem>>) src(%dma_wait3A_36 : memref<640x128xf32, #tpu.memory_space<vmem_shared>>) dst(%dma_wait3A_34 : memref<640x128xf32, #tpu.memory_space<hbm>>)
      tpu.yield
    }) : () -> ()
    return
  }
}

#map = affine_map<(d0, d1) -> (0, 0, 0)>
#map1 = affine_map<(d0, d1) -> (0, 0)>
module attributes {stable_mosaic.version = 14 : i64} {
  func.func @k(%arg0: i32, %arg1: i32, %arg2: memref<32x79x128xi32, #tpu.memory_space<hbm>>, %arg3: memref<128x128xf32, #tpu.memory_space<hbm>>, %arg4: memref<10240x128xf32, #tpu.memory_space<hbm>>, %arg5: memref<2x10240x128xf32, #tpu.memory_space<hbm>>, %arg6: memref<79x128xi32, #tpu.memory_space<vmem>>, %arg7: memref<128x128xf32, #tpu.memory_space<vmem>>, %arg8: memref<10240x128xf32, #tpu.memory_space<vmem_shared>>) attributes {dimension_semantics = [#tpu.dimension_semantics<core_parallel>, #tpu.dimension_semantics<subcore_parallel>], iteration_bounds = array<i64: 2, 16>, scalar_prefetch = 0 : i64, scratch_operands = 3 : i64, tpu.core_type = #tpu.core_type<sc_vector_subcore>, window_params = [{transform_indices = #map}, {transform_indices = #map1}, {transform_indices = #map1}, {transform_indices = #map}]} {
    %mul3A = arith.constant 16 : i32
    %mul3A_0 = arith.muli %arg0, %mul3A : i32
    %add3A = arith.addi %mul3A_0, %arg1 : i32
    %mul3A_1 = arith.constant 640 : i32
    %mul3A_2 = arith.muli %arg1, %mul3A_1 : i32
    %mul3A_3 = arith.constant 640 : i32
    %mul3A_4 = arith.muli %arg1, %mul3A_3 : i32
    "tpu.region"() ({
      %run_scoped3A = tpu.sem_alloc : memref<!tpu.dma_semaphore, #tpu.memory_space<semaphore_mem>>
      %dma_start3A = arith.constant 0 : i32
      %dma_start3A_15 = tpu.memref_slice %arg8[%mul3A_4, %dma_start3A] : memref<10240x128xf32, #tpu.memory_space<vmem_shared>> -> memref<640x128xf32, #tpu.memory_space<vmem_shared>>
      %dma_start3A_16 = arith.constant 0 : i32
      %dma_start3A_17 = tpu.memref_slice %arg4[%mul3A_2, %dma_start3A_16] : memref<10240x128xf32, #tpu.memory_space<hbm>> -> memref<640x128xf32, #tpu.memory_space<hbm>>
      tpu.enqueue_dma source(%dma_start3A_17 : memref<640x128xf32, #tpu.memory_space<hbm>>) target(%dma_start3A_15 : memref<640x128xf32, #tpu.memory_space<vmem_shared>>) target_semaphore(%run_scoped3A : memref<!tpu.dma_semaphore, #tpu.memory_space<semaphore_mem>>)
      %dma_wait3A = arith.constant 0 : i32
      %dma_wait3A_18 = tpu.memref_slice %arg8[%mul3A_4, %dma_wait3A] : memref<10240x128xf32, #tpu.memory_space<vmem_shared>> -> memref<640x128xf32, #tpu.memory_space<vmem_shared>>
      %dma_wait3A_19 = arith.constant 0 : i32
      %dma_wait3A_20 = tpu.memref_slice %arg4[%mul3A_2, %dma_wait3A_19] : memref<10240x128xf32, #tpu.memory_space<hbm>> -> memref<640x128xf32, #tpu.memory_space<hbm>>
      tpu.wait_dma2 semaphore(%run_scoped3A : memref<!tpu.dma_semaphore, #tpu.memory_space<semaphore_mem>>) src(%dma_wait3A_20 : memref<640x128xf32, #tpu.memory_space<hbm>>) dst(%dma_wait3A_18 : memref<640x128xf32, #tpu.memory_space<vmem_shared>>)
      tpu.yield
    }) : () -> ()
    "tpu.region"() ({
      %run_scoped3A = tpu.sem_alloc : memref<!tpu.dma_semaphore, #tpu.memory_space<semaphore_mem>>
      %dma_start3A = arith.constant 0 : i32
      %dma_start3A_15 = arith.constant 0 : i32
      %dma_start3A_16 = tpu.memref_slice %arg2[%add3A, %dma_start3A, %dma_start3A_15] : memref<32x79x128xi32, #tpu.memory_space<hbm>> -> memref<1x79x128xi32, #tpu.memory_space<hbm>>
      %dma_start3A_17 = tpu.memref_squeeze %dma_start3A_16 : memref<1x79x128xi32, #tpu.memory_space<hbm>> -> memref<79x128xi32, #tpu.memory_space<hbm>>
      %dma_start3A_18 = arith.constant 0 : i32
      %dma_start3A_19 = arith.constant 0 : i32
      %dma_start3A_20 = tpu.memref_slice %arg2[%add3A, %dma_start3A_18, %dma_start3A_19] : memref<32x79x128xi32, #tpu.memory_space<hbm>> -> memref<1x79x128xi32, #tpu.memory_space<hbm>>
      %dma_start3A_21 = tpu.memref_squeeze %dma_start3A_20 : memref<1x79x128xi32, #tpu.memory_space<hbm>> -> memref<79x128xi32, #tpu.memory_space<hbm>>
      tpu.enqueue_dma source(%dma_start3A_21 : memref<79x128xi32, #tpu.memory_space<hbm>>) target(%arg6 : memref<79x128xi32, #tpu.memory_space<vmem>>) target_semaphore(%run_scoped3A : memref<!tpu.dma_semaphore, #tpu.memory_space<semaphore_mem>>)
      %dma_wait3A = arith.constant 0 : i32
      %dma_wait3A_22 = arith.constant 0 : i32
      %dma_wait3A_23 = tpu.memref_slice %arg2[%add3A, %dma_wait3A, %dma_wait3A_22] : memref<32x79x128xi32, #tpu.memory_space<hbm>> -> memref<1x79x128xi32, #tpu.memory_space<hbm>>
      %dma_wait3A_24 = tpu.memref_squeeze %dma_wait3A_23 : memref<1x79x128xi32, #tpu.memory_space<hbm>> -> memref<79x128xi32, #tpu.memory_space<hbm>>
      %dma_wait3A_25 = arith.constant 0 : i32
      %dma_wait3A_26 = arith.constant 0 : i32
      %dma_wait3A_27 = tpu.memref_slice %arg2[%add3A, %dma_wait3A_25, %dma_wait3A_26] : memref<32x79x128xi32, #tpu.memory_space<hbm>> -> memref<1x79x128xi32, #tpu.memory_space<hbm>>
      %dma_wait3A_28 = tpu.memref_squeeze %dma_wait3A_27 : memref<1x79x128xi32, #tpu.memory_space<hbm>> -> memref<79x128xi32, #tpu.memory_space<hbm>>
      tpu.wait_dma2 semaphore(%run_scoped3A : memref<!tpu.dma_semaphore, #tpu.memory_space<semaphore_mem>>) src(%dma_wait3A_28 : memref<79x128xi32, #tpu.memory_space<hbm>>) dst(%arg6 : memref<79x128xi32, #tpu.memory_space<vmem>>)
      tpu.yield
    }) : () -> ()
    "tpu.region"() ({
      %run_scoped3A = tpu.sem_alloc : memref<!tpu.dma_semaphore, #tpu.memory_space<semaphore_mem>>
      tpu.enqueue_dma source(%arg3 : memref<128x128xf32, #tpu.memory_space<hbm>>) target(%arg7 : memref<128x128xf32, #tpu.memory_space<vmem>>) target_semaphore(%run_scoped3A : memref<!tpu.dma_semaphore, #tpu.memory_space<semaphore_mem>>)
      tpu.wait_dma2 semaphore(%run_scoped3A : memref<!tpu.dma_semaphore, #tpu.memory_space<semaphore_mem>>) src(%arg3 : memref<128x128xf32, #tpu.memory_space<hbm>>) dst(%arg7 : memref<128x128xf32, #tpu.memory_space<vmem>>)
      tpu.yield
    }) : () -> ()
    %barrier3A = arith.constant 0 : index
    tpu.barrier barrier_id(%barrier3A)
    %scan3A = arith.constant 0 : i32
    %scan3A_5 = arith.constant 0 : i32
    %scan3A_6 = arith.constant 79 : i32
    %scan3A_7 = arith.addi %scan3A_5, %scan3A_6 : i32
    %scan3A_8 = arith.constant 1 : i32
    scf.for %scan3A_15 = %scan3A_5 to %scan3A_7 step %scan3A_8  : i32 {
      "tpu.region"() ({
        %run_scoped3A = tpu.sem_alloc : memref<!tpu.dma_semaphore, #tpu.memory_space<semaphore_mem>>
        %dma_start3A = arith.constant 0 : i32
        %dma_start3A_16 = tpu.memref_slice %arg6[%scan3A_15, %dma_start3A] : memref<79x128xi32, #tpu.memory_space<vmem>> -> memref<1x128xi32, #tpu.memory_space<vmem>>
        %dma_start3A_17 = tpu.memref_squeeze %dma_start3A_16 : memref<1x128xi32, #tpu.memory_space<vmem>> -> memref<128xi32, #tpu.memory_space<vmem>>
        %dma_start3A_18 = arith.constant 0 : i32
        %dma_start3A_19 = arith.constant 0 : i32
        %dma_start3A_20 = tpu.memref_slice %arg8[%dma_start3A_18, %dma_start3A_19] : memref<10240x128xf32, #tpu.memory_space<vmem_shared>> -> memref<10240x128xf32, #tpu.memory_space<vmem_shared>>
        tpu.enqueue_indirect_dma source(%arg7 : memref<128x128xf32, #tpu.memory_space<vmem>>) target(%dma_start3A_20 : memref<10240x128xf32, #tpu.memory_space<vmem_shared>>) offsets(%dma_start3A_17 : memref<128xi32, #tpu.memory_space<vmem>>) semaphore(%run_scoped3A : memref<!tpu.dma_semaphore, #tpu.memory_space<semaphore_mem>>) {add = true}
        %dma_wait3A = arith.constant 0 : i32
        %dma_wait3A_21 = tpu.memref_slice %arg6[%scan3A_15, %dma_wait3A] : memref<79x128xi32, #tpu.memory_space<vmem>> -> memref<1x128xi32, #tpu.memory_space<vmem>>
        %dma_wait3A_22 = tpu.memref_squeeze %dma_wait3A_21 : memref<1x128xi32, #tpu.memory_space<vmem>> -> memref<128xi32, #tpu.memory_space<vmem>>
        %dma_wait3A_23 = arith.constant 0 : i32
        %dma_wait3A_24 = arith.constant 0 : i32
        %dma_wait3A_25 = tpu.memref_slice %arg8[%dma_wait3A_23, %dma_wait3A_24] : memref<10240x128xf32, #tpu.memory_space<vmem_shared>> -> memref<10240x128xf32, #tpu.memory_space<vmem_shared>>
        tpu.wait_indirect_dma semaphore(%run_scoped3A : memref<!tpu.dma_semaphore, #tpu.memory_space<semaphore_mem>>) src(%arg7 : memref<128x128xf32, #tpu.memory_space<vmem>>) dst(%dma_wait3A_25 : memref<10240x128xf32, #tpu.memory_space<vmem_shared>>)
        tpu.yield
      }) : () -> ()
    }
    %scan3A_9 = arith.constant 79 : i32
    %barrier3A_10 = arith.constant 0 : index
    tpu.barrier barrier_id(%barrier3A_10)
    %mul3A_11 = arith.constant 640 : i32
    %mul3A_12 = arith.muli %arg1, %mul3A_11 : i32
    %mul3A_13 = arith.constant 640 : i32
    %mul3A_14 = arith.muli %arg1, %mul3A_13 : i32
    "tpu.region"() ({
      %run_scoped3A = tpu.sem_alloc : memref<!tpu.dma_semaphore, #tpu.memory_space<semaphore_mem>>
      %dma_start3A = arith.constant 0 : i32
      %dma_start3A_15 = tpu.memref_slice %arg5[%arg0, %mul3A_14, %dma_start3A] : memref<2x10240x128xf32, #tpu.memory_space<hbm>> -> memref<1x640x128xf32, #tpu.memory_space<hbm>>
      %dma_start3A_16 = tpu.memref_squeeze %dma_start3A_15 : memref<1x640x128xf32, #tpu.memory_space<hbm>> -> memref<640x128xf32, #tpu.memory_space<hbm>>
      %dma_start3A_17 = arith.constant 0 : i32
      %dma_start3A_18 = tpu.memref_slice %arg8[%mul3A_12, %dma_start3A_17] : memref<10240x128xf32, #tpu.memory_space<vmem_shared>> -> memref<640x128xf32, #tpu.memory_space<vmem_shared>>
      tpu.enqueue_dma source(%dma_start3A_18 : memref<640x128xf32, #tpu.memory_space<vmem_shared>>) target(%dma_start3A_16 : memref<640x128xf32, #tpu.memory_space<hbm>>) target_semaphore(%run_scoped3A : memref<!tpu.dma_semaphore, #tpu.memory_space<semaphore_mem>>)
      %dma_wait3A = arith.constant 0 : i32
      %dma_wait3A_19 = tpu.memref_slice %arg5[%arg0, %mul3A_14, %dma_wait3A] : memref<2x10240x128xf32, #tpu.memory_space<hbm>> -> memref<1x640x128xf32, #tpu.memory_space<hbm>>
      %dma_wait3A_20 = tpu.memref_squeeze %dma_wait3A_19 : memref<1x640x128xf32, #tpu.memory_space<hbm>> -> memref<640x128xf32, #tpu.memory_space<hbm>>
      %dma_wait3A_21 = arith.constant 0 : i32
      %dma_wait3A_22 = tpu.memref_slice %arg8[%mul3A_12, %dma_wait3A_21] : memref<10240x128xf32, #tpu.memory_space<vmem_shared>> -> memref<640x128xf32, #tpu.memory_space<vmem_shared>>
      tpu.wait_dma2 semaphore(%run_scoped3A : memref<!tpu.dma_semaphore, #tpu.memory_space<semaphore_mem>>) src(%dma_wait3A_22 : memref<640x128xf32, #tpu.memory_space<vmem_shared>>) dst(%dma_wait3A_20 : memref<640x128xf32, #tpu.memory_space<hbm>>)
      tpu.yield
    }) : () -> ()
    return
  }
}

#map = affine_map<(d0, d1) -> (0, 0)>
#map1 = affine_map<(d0, d1) -> (0, 0, 0)>
module attributes {stable_mosaic.version = 14 : i64} {
  func.func @k(%arg0: i32, %arg1: i32, %arg2: memref<10240x128xf32, #tpu.memory_space<hbm>>, %arg3: memref<32x79x128xi32, #tpu.memory_space<hbm>>, %arg4: memref<32x79x128xi32, #tpu.memory_space<hbm>>, %arg5: memref<10240x128xf32, #tpu.memory_space<hbm>>, %arg6: memref<2x10240x128xf32, #tpu.memory_space<hbm>>, %arg7: memref<79x128xi32, #tpu.memory_space<vmem>>, %arg8: memref<128xi32, #tpu.memory_space<vmem>>, %arg9: memref<128xi32, #tpu.memory_space<vmem>>, %arg10: memref<128x128xf32, #tpu.memory_space<vmem>>, %arg11: memref<128x128xf32, #tpu.memory_space<vmem>>, %arg12: memref<10240x128xf32, #tpu.memory_space<vmem_shared>>, %arg13: memref<!tpu.dma_semaphore, #tpu.memory_space<semaphore_mem>>, %arg14: memref<!tpu.dma_semaphore, #tpu.memory_space<semaphore_mem>>) attributes {dimension_semantics = [#tpu.dimension_semantics<core_parallel>, #tpu.dimension_semantics<subcore_parallel>], iteration_bounds = array<i64: 2, 16>, scalar_prefetch = 0 : i64, scratch_operands = 8 : i64, tpu.core_type = #tpu.core_type<sc_vector_subcore>, window_params = [{transform_indices = #map}, {transform_indices = #map1}, {transform_indices = #map1}, {transform_indices = #map}, {transform_indices = #map1}]} {
    %mul3A = arith.constant 16 : i32
    %mul3A_0 = arith.muli %arg0, %mul3A : i32
    %add3A = arith.addi %mul3A_0, %arg1 : i32
    "tpu.region"() ({
      %run_scoped3A = tpu.sem_alloc : memref<!tpu.dma_semaphore, #tpu.memory_space<semaphore_mem>>
      %dma_start3A_28 = arith.constant 0 : i32
      %dma_start3A_29 = arith.constant 0 : i32
      %dma_start3A_30 = tpu.memref_slice %arg3[%add3A, %dma_start3A_28, %dma_start3A_29] : memref<32x79x128xi32, #tpu.memory_space<hbm>> -> memref<1x79x128xi32, #tpu.memory_space<hbm>>
      %dma_start3A_31 = tpu.memref_squeeze %dma_start3A_30 : memref<1x79x128xi32, #tpu.memory_space<hbm>> -> memref<79x128xi32, #tpu.memory_space<hbm>>
      %dma_start3A_32 = arith.constant 0 : i32
      %dma_start3A_33 = arith.constant 0 : i32
      %dma_start3A_34 = tpu.memref_slice %arg3[%add3A, %dma_start3A_32, %dma_start3A_33] : memref<32x79x128xi32, #tpu.memory_space<hbm>> -> memref<1x79x128xi32, #tpu.memory_space<hbm>>
      %dma_start3A_35 = tpu.memref_squeeze %dma_start3A_34 : memref<1x79x128xi32, #tpu.memory_space<hbm>> -> memref<79x128xi32, #tpu.memory_space<hbm>>
      tpu.enqueue_dma source(%dma_start3A_35 : memref<79x128xi32, #tpu.memory_space<hbm>>) target(%arg7 : memref<79x128xi32, #tpu.memory_space<vmem>>) target_semaphore(%run_scoped3A : memref<!tpu.dma_semaphore, #tpu.memory_space<semaphore_mem>>)
      %dma_wait3A = arith.constant 0 : i32
      %dma_wait3A_36 = arith.constant 0 : i32
      %dma_wait3A_37 = tpu.memref_slice %arg3[%add3A, %dma_wait3A, %dma_wait3A_36] : memref<32x79x128xi32, #tpu.memory_space<hbm>> -> memref<1x79x128xi32, #tpu.memory_space<hbm>>
      %dma_wait3A_38 = tpu.memref_squeeze %dma_wait3A_37 : memref<1x79x128xi32, #tpu.memory_space<hbm>> -> memref<79x128xi32, #tpu.memory_space<hbm>>
      %dma_wait3A_39 = arith.constant 0 : i32
      %dma_wait3A_40 = arith.constant 0 : i32
      %dma_wait3A_41 = tpu.memref_slice %arg3[%add3A, %dma_wait3A_39, %dma_wait3A_40] : memref<32x79x128xi32, #tpu.memory_space<hbm>> -> memref<1x79x128xi32, #tpu.memory_space<hbm>>
      %dma_wait3A_42 = tpu.memref_squeeze %dma_wait3A_41 : memref<1x79x128xi32, #tpu.memory_space<hbm>> -> memref<79x128xi32, #tpu.memory_space<hbm>>
      tpu.wait_dma2 semaphore(%run_scoped3A : memref<!tpu.dma_semaphore, #tpu.memory_space<semaphore_mem>>) src(%dma_wait3A_42 : memref<79x128xi32, #tpu.memory_space<hbm>>) dst(%arg7 : memref<79x128xi32, #tpu.memory_space<vmem>>)
      tpu.yield
    }) : () -> ()
    %mul3A_1 = arith.constant 640 : i32
    %mul3A_2 = arith.muli %arg1, %mul3A_1 : i32
    %mul3A_3 = arith.constant 640 : i32
    %mul3A_4 = arith.muli %arg1, %mul3A_3 : i32
    "tpu.region"() ({
      %run_scoped3A = tpu.sem_alloc : memref<!tpu.dma_semaphore, #tpu.memory_space<semaphore_mem>>
      %dma_start3A_28 = arith.constant 0 : i32
      %dma_start3A_29 = tpu.memref_slice %arg12[%mul3A_4, %dma_start3A_28] : memref<10240x128xf32, #tpu.memory_space<vmem_shared>> -> memref<640x128xf32, #tpu.memory_space<vmem_shared>>
      %dma_start3A_30 = arith.constant 0 : i32
      %dma_start3A_31 = tpu.memref_slice %arg5[%mul3A_2, %dma_start3A_30] : memref<10240x128xf32, #tpu.memory_space<hbm>> -> memref<640x128xf32, #tpu.memory_space<hbm>>
      tpu.enqueue_dma source(%dma_start3A_31 : memref<640x128xf32, #tpu.memory_space<hbm>>) target(%dma_start3A_29 : memref<640x128xf32, #tpu.memory_space<vmem_shared>>) target_semaphore(%run_scoped3A : memref<!tpu.dma_semaphore, #tpu.memory_space<semaphore_mem>>)
      %dma_wait3A = arith.constant 0 : i32
      %dma_wait3A_32 = tpu.memref_slice %arg12[%mul3A_4, %dma_wait3A] : memref<10240x128xf32, #tpu.memory_space<vmem_shared>> -> memref<640x128xf32, #tpu.memory_space<vmem_shared>>
      %dma_wait3A_33 = arith.constant 0 : i32
      %dma_wait3A_34 = tpu.memref_slice %arg5[%mul3A_2, %dma_wait3A_33] : memref<10240x128xf32, #tpu.memory_space<hbm>> -> memref<640x128xf32, #tpu.memory_space<hbm>>
      tpu.wait_dma2 semaphore(%run_scoped3A : memref<!tpu.dma_semaphore, #tpu.memory_space<semaphore_mem>>) src(%dma_wait3A_34 : memref<640x128xf32, #tpu.memory_space<hbm>>) dst(%dma_wait3A_32 : memref<640x128xf32, #tpu.memory_space<vmem_shared>>)
      tpu.yield
    }) : () -> ()
    %barrier3A = arith.constant 0 : index
    tpu.barrier barrier_id(%barrier3A)
    %dma_start3A = arith.constant 0 : i32
    %dma_start3A_5 = arith.constant 0 : i32
    %dma_start3A_6 = tpu.memref_slice %arg7[%dma_start3A, %dma_start3A_5] : memref<79x128xi32, #tpu.memory_space<vmem>> -> memref<1x128xi32, #tpu.memory_space<vmem>>
    %dma_start3A_7 = tpu.memref_squeeze %dma_start3A_6 : memref<1x128xi32, #tpu.memory_space<vmem>> -> memref<128xi32, #tpu.memory_space<vmem>>
    %dma_start3A_8 = arith.constant 0 : i32
    %dma_start3A_9 = arith.constant 0 : i32
    %dma_start3A_10 = tpu.memref_slice %arg2[%dma_start3A_8, %dma_start3A_9] : memref<10240x128xf32, #tpu.memory_space<hbm>> -> memref<10240x128xf32, #tpu.memory_space<hbm>>
    tpu.enqueue_indirect_dma source(%dma_start3A_10 : memref<10240x128xf32, #tpu.memory_space<hbm>>) target(%arg10 : memref<128x128xf32, #tpu.memory_space<vmem>>) offsets(%dma_start3A_7 : memref<128xi32, #tpu.memory_space<vmem>>) semaphore(%arg13 : memref<!tpu.dma_semaphore, #tpu.memory_space<semaphore_mem>>)
    %dma_start3A_11 = arith.constant 0 : i32
    %dma_start3A_12 = arith.constant 0 : i32
    %dma_start3A_13 = tpu.memref_slice %arg4[%add3A, %dma_start3A_11, %dma_start3A_12] : memref<32x79x128xi32, #tpu.memory_space<hbm>> -> memref<1x1x128xi32, #tpu.memory_space<hbm>>
    %dma_start3A_14 = tpu.memref_squeeze %dma_start3A_13 : memref<1x1x128xi32, #tpu.memory_space<hbm>> -> memref<128xi32, #tpu.memory_space<hbm>>
    %dma_start3A_15 = arith.constant 0 : i32
    %dma_start3A_16 = tpu.memref_slice %arg4[%add3A, %dma_start3A_11, %dma_start3A_15] : memref<32x79x128xi32, #tpu.memory_space<hbm>> -> memref<1x1x128xi32, #tpu.memory_space<hbm>>
    %dma_start3A_17 = tpu.memref_squeeze %dma_start3A_16 : memref<1x1x128xi32, #tpu.memory_space<hbm>> -> memref<128xi32, #tpu.memory_space<hbm>>
    tpu.enqueue_dma source(%dma_start3A_17 : memref<128xi32, #tpu.memory_space<hbm>>) target(%arg8 : memref<128xi32, #tpu.memory_space<vmem>>) target_semaphore(%arg13 : memref<!tpu.dma_semaphore, #tpu.memory_space<semaphore_mem>>)
    %scan3A = arith.constant 0 : i32
    %scan3A_18 = arith.constant 0 : i32
    %scan3A_19 = arith.constant 40 : i32
    %scan3A_20 = arith.addi %scan3A_18, %scan3A_19 : i32
    %scan3A_21 = arith.constant 1 : i32
    scf.for %scan3A_28 = %scan3A_18 to %scan3A_20 step %scan3A_21  : i32 {
      %mul3A_29 = arith.constant 2 : i32
      %mul3A_30 = arith.muli %scan3A_28, %mul3A_29 : i32
      %add3A_31 = arith.constant 0 : i32
      %add3A_32 = arith.addi %mul3A_30, %add3A_31 : i32
      %add3A_33 = arith.constant 1 : i32
      %add3A_34 = arith.addi %add3A_32, %add3A_33 : i32
      %lt3A = arith.constant 79 : i32
      %lt3A_35 = arith.cmpi slt, %add3A_34, %lt3A : i32
      %convert_element_type3A = arith.extui %lt3A_35 : i1 to i32
      %cond3A = arith.constant 0 : i32
      %cond3A_36 = arith.cmpi ne, %convert_element_type3A, %cond3A : i32
      scf.if %cond3A_36 {
        %dma_start3A_58 = arith.constant 0 : i32
        %dma_start3A_59 = tpu.memref_slice %arg7[%add3A_34, %dma_start3A_58] : memref<79x128xi32, #tpu.memory_space<vmem>> -> memref<1x128xi32, #tpu.memory_space<vmem>>
        %dma_start3A_60 = tpu.memref_squeeze %dma_start3A_59 : memref<1x128xi32, #tpu.memory_space<vmem>> -> memref<128xi32, #tpu.memory_space<vmem>>
        %dma_start3A_61 = arith.constant 0 : i32
        %dma_start3A_62 = arith.constant 0 : i32
        %dma_start3A_63 = tpu.memref_slice %arg2[%dma_start3A_61, %dma_start3A_62] : memref<10240x128xf32, #tpu.memory_space<hbm>> -> memref<10240x128xf32, #tpu.memory_space<hbm>>
        tpu.enqueue_indirect_dma source(%dma_start3A_63 : memref<10240x128xf32, #tpu.memory_space<hbm>>) target(%arg11 : memref<128x128xf32, #tpu.memory_space<vmem>>) offsets(%dma_start3A_60 : memref<128xi32, #tpu.memory_space<vmem>>) semaphore(%arg14 : memref<!tpu.dma_semaphore, #tpu.memory_space<semaphore_mem>>)
        %dma_start3A_64 = arith.constant 0 : i32
        %dma_start3A_65 = tpu.memref_slice %arg4[%add3A, %add3A_34, %dma_start3A_64] : memref<32x79x128xi32, #tpu.memory_space<hbm>> -> memref<1x1x128xi32, #tpu.memory_space<hbm>>
        %dma_start3A_66 = tpu.memref_squeeze %dma_start3A_65 : memref<1x1x128xi32, #tpu.memory_space<hbm>> -> memref<128xi32, #tpu.memory_space<hbm>>
        %dma_start3A_67 = arith.constant 0 : i32
        %dma_start3A_68 = tpu.memref_slice %arg4[%add3A, %add3A_34, %dma_start3A_67] : memref<32x79x128xi32, #tpu.memory_space<hbm>> -> memref<1x1x128xi32, #tpu.memory_space<hbm>>
        %dma_start3A_69 = tpu.memref_squeeze %dma_start3A_68 : memref<1x1x128xi32, #tpu.memory_space<hbm>> -> memref<128xi32, #tpu.memory_space<hbm>>
        tpu.enqueue_dma source(%dma_start3A_69 : memref<128xi32, #tpu.memory_space<hbm>>) target(%arg9 : memref<128xi32, #tpu.memory_space<vmem>>) target_semaphore(%arg14 : memref<!tpu.dma_semaphore, #tpu.memory_space<semaphore_mem>>)
      } else {
      }
      %lt3A_37 = arith.constant 79 : i32
      %lt3A_38 = arith.cmpi slt, %add3A_32, %lt3A_37 : i32
      %convert_element_type3A_39 = arith.extui %lt3A_38 : i1 to i32
      %cond3A_40 = arith.constant 0 : i32
      %cond3A_41 = arith.cmpi ne, %convert_element_type3A_39, %cond3A_40 : i32
      scf.if %cond3A_41 {
        %dma_wait3A = arith.constant 0 : i32
        %dma_wait3A_58 = tpu.memref_slice %arg7[%add3A_32, %dma_wait3A] : memref<79x128xi32, #tpu.memory_space<vmem>> -> memref<1x128xi32, #tpu.memory_space<vmem>>
        %dma_wait3A_59 = tpu.memref_squeeze %dma_wait3A_58 : memref<1x128xi32, #tpu.memory_space<vmem>> -> memref<128xi32, #tpu.memory_space<vmem>>
        %dma_wait3A_60 = arith.constant 0 : i32
        %dma_wait3A_61 = arith.constant 0 : i32
        %dma_wait3A_62 = tpu.memref_slice %arg2[%dma_wait3A_60, %dma_wait3A_61] : memref<10240x128xf32, #tpu.memory_space<hbm>> -> memref<10240x128xf32, #tpu.memory_space<hbm>>
        tpu.wait_indirect_dma semaphore(%arg13 : memref<!tpu.dma_semaphore, #tpu.memory_space<semaphore_mem>>) src(%dma_wait3A_62 : memref<10240x128xf32, #tpu.memory_space<hbm>>) dst(%arg10 : memref<128x128xf32, #tpu.memory_space<vmem>>)
        %dma_wait3A_63 = arith.constant 0 : i32
        %dma_wait3A_64 = tpu.memref_slice %arg4[%add3A, %add3A_32, %dma_wait3A_63] : memref<32x79x128xi32, #tpu.memory_space<hbm>> -> memref<1x1x128xi32, #tpu.memory_space<hbm>>
        %dma_wait3A_65 = tpu.memref_squeeze %dma_wait3A_64 : memref<1x1x128xi32, #tpu.memory_space<hbm>> -> memref<128xi32, #tpu.memory_space<hbm>>
        %dma_wait3A_66 = arith.constant 0 : i32
        %dma_wait3A_67 = tpu.memref_slice %arg4[%add3A, %add3A_32, %dma_wait3A_66] : memref<32x79x128xi32, #tpu.memory_space<hbm>> -> memref<1x1x128xi32, #tpu.memory_space<hbm>>
        %dma_wait3A_68 = tpu.memref_squeeze %dma_wait3A_67 : memref<1x1x128xi32, #tpu.memory_space<hbm>> -> memref<128xi32, #tpu.memory_space<hbm>>
        tpu.wait_dma2 semaphore(%arg13 : memref<!tpu.dma_semaphore, #tpu.memory_space<semaphore_mem>>) src(%dma_wait3A_68 : memref<128xi32, #tpu.memory_space<hbm>>) dst(%arg8 : memref<128xi32, #tpu.memory_space<vmem>>)
        "tpu.region"() ({
          %run_scoped3A = tpu.sem_alloc : memref<!tpu.dma_semaphore, #tpu.memory_space<semaphore_mem>>
          %dma_start3A_69 = arith.constant 0 : i32
          %dma_start3A_70 = arith.constant 0 : i32
          %dma_start3A_71 = tpu.memref_slice %arg12[%dma_start3A_69, %dma_start3A_70] : memref<10240x128xf32, #tpu.memory_space<vmem_shared>> -> memref<10240x128xf32, #tpu.memory_space<vmem_shared>>
          tpu.enqueue_indirect_dma source(%arg10 : memref<128x128xf32, #tpu.memory_space<vmem>>) target(%dma_start3A_71 : memref<10240x128xf32, #tpu.memory_space<vmem_shared>>) offsets(%arg8 : memref<128xi32, #tpu.memory_space<vmem>>) semaphore(%run_scoped3A : memref<!tpu.dma_semaphore, #tpu.memory_space<semaphore_mem>>) {add = true}
          %dma_wait3A_72 = arith.constant 0 : i32
          %dma_wait3A_73 = arith.constant 0 : i32
          %dma_wait3A_74 = tpu.memref_slice %arg12[%dma_wait3A_72, %dma_wait3A_73] : memref<10240x128xf32, #tpu.memory_space<vmem_shared>> -> memref<10240x128xf32, #tpu.memory_space<vmem_shared>>
          tpu.wait_indirect_dma semaphore(%run_scoped3A : memref<!tpu.dma_semaphore, #tpu.memory_space<semaphore_mem>>) src(%arg10 : memref<128x128xf32, #tpu.memory_space<vmem>>) dst(%dma_wait3A_74 : memref<10240x128xf32, #tpu.memory_space<vmem_shared>>)
          tpu.yield
        }) : () -> ()
      } else {
      }
      %mul3A_42 = arith.constant 2 : i32
      %mul3A_43 = arith.muli %scan3A_28, %mul3A_42 : i32
      %add3A_44 = arith.constant 1 : i32
      %add3A_45 = arith.addi %mul3A_43, %add3A_44 : i32
      %add3A_46 = arith.constant 1 : i32
      %add3A_47 = arith.addi %add3A_45, %add3A_46 : i32
      %lt3A_48 = arith.constant 79 : i32
      %lt3A_49 = arith.cmpi slt, %add3A_47, %lt3A_48 : i32
      %convert_element_type3A_50 = arith.extui %lt3A_49 : i1 to i32
      %cond3A_51 = arith.constant 0 : i32
      %cond3A_52 = arith.cmpi ne, %convert_element_type3A_50, %cond3A_51 : i32
      scf.if %cond3A_52 {
        %dma_start3A_58 = arith.constant 0 : i32
        %dma_start3A_59 = tpu.memref_slice %arg7[%add3A_47, %dma_start3A_58] : memref<79x128xi32, #tpu.memory_space<vmem>> -> memref<1x128xi32, #tpu.memory_space<vmem>>
        %dma_start3A_60 = tpu.memref_squeeze %dma_start3A_59 : memref<1x128xi32, #tpu.memory_space<vmem>> -> memref<128xi32, #tpu.memory_space<vmem>>
        %dma_start3A_61 = arith.constant 0 : i32
        %dma_start3A_62 = arith.constant 0 : i32
        %dma_start3A_63 = tpu.memref_slice %arg2[%dma_start3A_61, %dma_start3A_62] : memref<10240x128xf32, #tpu.memory_space<hbm>> -> memref<10240x128xf32, #tpu.memory_space<hbm>>
        tpu.enqueue_indirect_dma source(%dma_start3A_63 : memref<10240x128xf32, #tpu.memory_space<hbm>>) target(%arg10 : memref<128x128xf32, #tpu.memory_space<vmem>>) offsets(%dma_start3A_60 : memref<128xi32, #tpu.memory_space<vmem>>) semaphore(%arg13 : memref<!tpu.dma_semaphore, #tpu.memory_space<semaphore_mem>>)
        %dma_start3A_64 = arith.constant 0 : i32
        %dma_start3A_65 = tpu.memref_slice %arg4[%add3A, %add3A_47, %dma_start3A_64] : memref<32x79x128xi32, #tpu.memory_space<hbm>> -> memref<1x1x128xi32, #tpu.memory_space<hbm>>
        %dma_start3A_66 = tpu.memref_squeeze %dma_start3A_65 : memref<1x1x128xi32, #tpu.memory_space<hbm>> -> memref<128xi32, #tpu.memory_space<hbm>>
        %dma_start3A_67 = arith.constant 0 : i32
        %dma_start3A_68 = tpu.memref_slice %arg4[%add3A, %add3A_47, %dma_start3A_67] : memref<32x79x128xi32, #tpu.memory_space<hbm>> -> memref<1x1x128xi32, #tpu.memory_space<hbm>>
        %dma_start3A_69 = tpu.memref_squeeze %dma_start3A_68 : memref<1x1x128xi32, #tpu.memory_space<hbm>> -> memref<128xi32, #tpu.memory_space<hbm>>
        tpu.enqueue_dma source(%dma_start3A_69 : memref<128xi32, #tpu.memory_space<hbm>>) target(%arg8 : memref<128xi32, #tpu.memory_space<vmem>>) target_semaphore(%arg13 : memref<!tpu.dma_semaphore, #tpu.memory_space<semaphore_mem>>)
      } else {
      }
      %lt3A_53 = arith.constant 79 : i32
      %lt3A_54 = arith.cmpi slt, %add3A_45, %lt3A_53 : i32
      %convert_element_type3A_55 = arith.extui %lt3A_54 : i1 to i32
      %cond3A_56 = arith.constant 0 : i32
      %cond3A_57 = arith.cmpi ne, %convert_element_type3A_55, %cond3A_56 : i32
      scf.if %cond3A_57 {
        %dma_wait3A = arith.constant 0 : i32
        %dma_wait3A_58 = tpu.memref_slice %arg7[%add3A_45, %dma_wait3A] : memref<79x128xi32, #tpu.memory_space<vmem>> -> memref<1x128xi32, #tpu.memory_space<vmem>>
        %dma_wait3A_59 = tpu.memref_squeeze %dma_wait3A_58 : memref<1x128xi32, #tpu.memory_space<vmem>> -> memref<128xi32, #tpu.memory_space<vmem>>
        %dma_wait3A_60 = arith.constant 0 : i32
        %dma_wait3A_61 = arith.constant 0 : i32
        %dma_wait3A_62 = tpu.memref_slice %arg2[%dma_wait3A_60, %dma_wait3A_61] : memref<10240x128xf32, #tpu.memory_space<hbm>> -> memref<10240x128xf32, #tpu.memory_space<hbm>>
        tpu.wait_indirect_dma semaphore(%arg14 : memref<!tpu.dma_semaphore, #tpu.memory_space<semaphore_mem>>) src(%dma_wait3A_62 : memref<10240x128xf32, #tpu.memory_space<hbm>>) dst(%arg11 : memref<128x128xf32, #tpu.memory_space<vmem>>)
        %dma_wait3A_63 = arith.constant 0 : i32
        %dma_wait3A_64 = tpu.memref_slice %arg4[%add3A, %add3A_45, %dma_wait3A_63] : memref<32x79x128xi32, #tpu.memory_space<hbm>> -> memref<1x1x128xi32, #tpu.memory_space<hbm>>
        %dma_wait3A_65 = tpu.memref_squeeze %dma_wait3A_64 : memref<1x1x128xi32, #tpu.memory_space<hbm>> -> memref<128xi32, #tpu.memory_space<hbm>>
        %dma_wait3A_66 = arith.constant 0 : i32
        %dma_wait3A_67 = tpu.memref_slice %arg4[%add3A, %add3A_45, %dma_wait3A_66] : memref<32x79x128xi32, #tpu.memory_space<hbm>> -> memref<1x1x128xi32, #tpu.memory_space<hbm>>
        %dma_wait3A_68 = tpu.memref_squeeze %dma_wait3A_67 : memref<1x1x128xi32, #tpu.memory_space<hbm>> -> memref<128xi32, #tpu.memory_space<hbm>>
        tpu.wait_dma2 semaphore(%arg14 : memref<!tpu.dma_semaphore, #tpu.memory_space<semaphore_mem>>) src(%dma_wait3A_68 : memref<128xi32, #tpu.memory_space<hbm>>) dst(%arg9 : memref<128xi32, #tpu.memory_space<vmem>>)
        "tpu.region"() ({
          %run_scoped3A = tpu.sem_alloc : memref<!tpu.dma_semaphore, #tpu.memory_space<semaphore_mem>>
          %dma_start3A_69 = arith.constant 0 : i32
          %dma_start3A_70 = arith.constant 0 : i32
          %dma_start3A_71 = tpu.memref_slice %arg12[%dma_start3A_69, %dma_start3A_70] : memref<10240x128xf32, #tpu.memory_space<vmem_shared>> -> memref<10240x128xf32, #tpu.memory_space<vmem_shared>>
          tpu.enqueue_indirect_dma source(%arg11 : memref<128x128xf32, #tpu.memory_space<vmem>>) target(%dma_start3A_71 : memref<10240x128xf32, #tpu.memory_space<vmem_shared>>) offsets(%arg9 : memref<128xi32, #tpu.memory_space<vmem>>) semaphore(%run_scoped3A : memref<!tpu.dma_semaphore, #tpu.memory_space<semaphore_mem>>) {add = true}
          %dma_wait3A_72 = arith.constant 0 : i32
          %dma_wait3A_73 = arith.constant 0 : i32
          %dma_wait3A_74 = tpu.memref_slice %arg12[%dma_wait3A_72, %dma_wait3A_73] : memref<10240x128xf32, #tpu.memory_space<vmem_shared>> -> memref<10240x128xf32, #tpu.memory_space<vmem_shared>>
          tpu.wait_indirect_dma semaphore(%run_scoped3A : memref<!tpu.dma_semaphore, #tpu.memory_space<semaphore_mem>>) src(%arg11 : memref<128x128xf32, #tpu.memory_space<vmem>>) dst(%dma_wait3A_74 : memref<10240x128xf32, #tpu.memory_space<vmem_shared>>)
          tpu.yield
        }) : () -> ()
      } else {
      }
    }
    %scan3A_22 = arith.constant 40 : i32
    %barrier3A_23 = arith.constant 0 : index
    tpu.barrier barrier_id(%barrier3A_23)
    %mul3A_24 = arith.constant 640 : i32
    %mul3A_25 = arith.muli %arg1, %mul3A_24 : i32
    %mul3A_26 = arith.constant 640 : i32
    %mul3A_27 = arith.muli %arg1, %mul3A_26 : i32
    "tpu.region"() ({
      %run_scoped3A = tpu.sem_alloc : memref<!tpu.dma_semaphore, #tpu.memory_space<semaphore_mem>>
      %dma_start3A_28 = arith.constant 0 : i32
      %dma_start3A_29 = tpu.memref_slice %arg6[%arg0, %mul3A_27, %dma_start3A_28] : memref<2x10240x128xf32, #tpu.memory_space<hbm>> -> memref<1x640x128xf32, #tpu.memory_space<hbm>>
      %dma_start3A_30 = tpu.memref_squeeze %dma_start3A_29 : memref<1x640x128xf32, #tpu.memory_space<hbm>> -> memref<640x128xf32, #tpu.memory_space<hbm>>
      %dma_start3A_31 = arith.constant 0 : i32
      %dma_start3A_32 = tpu.memref_slice %arg12[%mul3A_25, %dma_start3A_31] : memref<10240x128xf32, #tpu.memory_space<vmem_shared>> -> memref<640x128xf32, #tpu.memory_space<vmem_shared>>
      tpu.enqueue_dma source(%dma_start3A_32 : memref<640x128xf32, #tpu.memory_space<vmem_shared>>) target(%dma_start3A_30 : memref<640x128xf32, #tpu.memory_space<hbm>>) target_semaphore(%run_scoped3A : memref<!tpu.dma_semaphore, #tpu.memory_space<semaphore_mem>>)
      %dma_wait3A = arith.constant 0 : i32
      %dma_wait3A_33 = tpu.memref_slice %arg6[%arg0, %mul3A_27, %dma_wait3A] : memref<2x10240x128xf32, #tpu.memory_space<hbm>> -> memref<1x640x128xf32, #tpu.memory_space<hbm>>
      %dma_wait3A_34 = tpu.memref_squeeze %dma_wait3A_33 : memref<1x640x128xf32, #tpu.memory_space<hbm>> -> memref<640x128xf32, #tpu.memory_space<hbm>>
      %dma_wait3A_35 = arith.constant 0 : i32
      %dma_wait3A_36 = tpu.memref_slice %arg12[%mul3A_25, %dma_wait3A_35] : memref<10240x128xf32, #tpu.memory_space<vmem_shared>> -> memref<640x128xf32, #tpu.memory_space<vmem_shared>>
      tpu.wait_dma2 semaphore(%run_scoped3A : memref<!tpu.dma_semaphore, #tpu.memory_space<semaphore_mem>>) src(%dma_wait3A_36 : memref<640x128xf32, #tpu.memory_space<vmem_shared>>) dst(%dma_wait3A_34 : memref<640x128xf32, #tpu.memory_space<hbm>>)
      tpu.yield
    }) : () -> ()
    return
  }
}

module attributes {stable_mosaic.version = 14 : i64} {
  func.func @body(%arg0: i32, %arg1: memref<1024x128xf32, #tpu.memory_space<vmem>>, %arg2: memref<128x128xf32, #tpu.memory_space<vmem>>, %arg3: memref<1024x128xf32, #tpu.memory_space<vmem>>) attributes {dimension_semantics = [#tpu.dimension_semantics<arbitrary>], iteration_bounds = array<i64: 10>, scalar_prefetch = 0 : i64, scratch_operands = 0 : i64, tpu.core_type = #tpu.core_type<tc>, window_params = [{transform_indices = @transform_0, window_bounds = array<i64: 1024, 128>}, {pipeline_mode = #tpu.pipeline_mode<synchronous>, transform_indices = @transform_1, window_bounds = array<i64: 128, 128>}, {transform_indices = @transform_2, window_bounds = array<i64: 1024, 128>}]} {
    %get3A = arith.constant 0 : index
    %get3A_0 = arith.constant 0 : index
    %get3A_1 = vector.load %arg1[%get3A, %get3A_0] : memref<1024x128xf32, #tpu.memory_space<vmem>>, vector<1024x128xf32>
    %get3A_2 = arith.constant 0 : index
    %get3A_3 = arith.constant 0 : index
    %get3A_4 = vector.load %arg2[%get3A_2, %get3A_3] : memref<128x128xf32, #tpu.memory_space<vmem>>, vector<128x128xf32>
    %dot_general3A = arith.constant dense<0.000000e+00> : vector<1024x128xf32>
    %dot_general3A_5 = tpu.matmul %get3A_1, %get3A_4, %dot_general3A {dimension_numbers = #tpu.dot_dimension_numbers<[1], [0], [0], [1], [0, 0, 1, 1], [], []>, transpose_lhs_hint = false} : vector<1024x128xf32>, vector<128x128xf32>, vector<1024x128xf32> -> vector<1024x128xf32>
    %swap3A = arith.constant 0 : index
    %swap3A_6 = arith.constant 0 : index
    %swap3A_7 = vector.load %arg3[%swap3A, %swap3A_6] : memref<1024x128xf32, #tpu.memory_space<vmem>>, vector<1024x128xf32>
    tpu.vector_store %arg3[%swap3A, %swap3A_6], %dot_general3A_5 {strides = array<i32>} : memref<1024x128xf32, #tpu.memory_space<vmem>>, vector<1024x128xf32>,
    return
  }
  func.func @transform_0(%arg0: i32) -> (i32, i32) {
    %c0_i32 = arith.constant 0 : i32
    %c0_i32_0 = arith.constant 0 : i32
    return %arg0, %c0_i32 : i32, i32
  }
  func.func @transform_1(%arg0: i32) -> (i32, i32) {
    %c0_i32 = arith.constant 0 : i32
    %c0_i32_0 = arith.constant 0 : i32
    %c0_i32_1 = arith.constant 0 : i32
    return %c0_i32, %c0_i32_0 : i32, i32
  }
  func.func @transform_2(%arg0: i32) -> (i32, i32) {
    %c0_i32 = arith.constant 0 : i32
    %c0_i32_0 = arith.constant 0 : i32
    return %arg0, %c0_i32 : i32, i32
  }
}

module attributes {stable_mosaic.version = 14 : i64} {
  func.func @body(%arg0: i32, %arg1: memref<2x1024x128xf32, #tpu.memory_space<vmem>>, %arg2: memref<1024x128xf32, #tpu.memory_space<vmem>>, %arg3: memref<1024x128xf32, #tpu.memory_space<vmem>>, %arg4: memref<1024x128xf32, #tpu.memory_space<vmem>>) attributes {dimension_semantics = [#tpu.dimension_semantics<arbitrary>], iteration_bounds = array<i64: 10>, scalar_prefetch = 0 : i64, scratch_operands = 0 : i64, tpu.core_type = #tpu.core_type<tc>, window_params = [{transform_indices = @transform_0, window_bounds = array<i64: 2, 1024, 128>}, {transform_indices = @transform_1, window_bounds = array<i64: 1024, 128>}, {transform_indices = @transform_2, window_bounds = array<i64: 1024, 128>}, {transform_indices = @transform_3, window_bounds = array<i64: 1024, 128>}]} {
    %get3A = arith.constant 0 : index
    %get3A_0 = arith.constant 0 : index
    %get3A_1 = arith.constant 0 : index
    %get3A_2 = vector.load %arg1[%get3A, %get3A_0, %get3A_1] : memref<2x1024x128xf32, #tpu.memory_space<vmem>>, vector<2x1024x128xf32>
    %slice3A = vector.extract_strided_slice %get3A_2 {offsets = [0, 0, 0], sizes = [1, 1024, 1], strides = [1, 1, 1]} : vector<2x1024x128xf32> to vector<1x1024x1xf32>
    %squeeze3A = vector.shape_cast %slice3A : vector<1x1024x1xf32> to vector<1024x1xf32>
    %slice3A_3 = vector.extract_strided_slice %get3A_2 {offsets = [1, 0, 0], sizes = [1, 1024, 1], strides = [1, 1, 1]} : vector<2x1024x128xf32> to vector<1x1024x1xf32>
    %squeeze3A_4 = vector.shape_cast %slice3A_3 : vector<1x1024x1xf32> to vector<1024x1xf32>
    %add3A = arith.addf %squeeze3A, %squeeze3A_4 : vector<1024x1xf32>
    %add3A_5 = arith.constant 1.000000e+00 : f32
    %add3A_6 = vector.broadcast %add3A_5 : f32 to vector<1024x1xf32>
    %add3A_7 = arith.addf %add3A, %add3A_6 : vector<1024x1xf32>
    %rsqrt3A = math.rsqrt %add3A_7 : vector<1024x1xf32>
    %broadcast_in_dim3A = vector.shape_cast %rsqrt3A : vector<1024x1xf32> to vector<1024x1xf32>
    %broadcast_in_dim3A_8 = vector.broadcast %broadcast_in_dim3A : vector<1024x1xf32> to vector<1024x128xf32>
    %swap3A = arith.constant 0 : index
    %swap3A_9 = arith.constant 0 : index
    %swap3A_10 = vector.load %arg4[%swap3A, %swap3A_9] : memref<1024x128xf32, #tpu.memory_space<vmem>>, vector<1024x128xf32>
    tpu.vector_store %arg4[%swap3A, %swap3A_9], %broadcast_in_dim3A_8 {strides = array<i32>} : memref<1024x128xf32, #tpu.memory_space<vmem>>, vector<1024x128xf32>,
    %get3A_11 = arith.constant 0 : index
    %get3A_12 = arith.constant 0 : index
    %get3A_13 = vector.load %arg2[%get3A_11, %get3A_12] : memref<1024x128xf32, #tpu.memory_space<vmem>>, vector<1024x128xf32>
    %mul3A = arith.mulf %get3A_13, %broadcast_in_dim3A_8 : vector<1024x128xf32>
    %swap3A_14 = arith.constant 0 : index
    %swap3A_15 = arith.constant 0 : index
    %swap3A_16 = vector.load %arg3[%swap3A_14, %swap3A_15] : memref<1024x128xf32, #tpu.memory_space<vmem>>, vector<1024x128xf32>
    tpu.vector_store %arg3[%swap3A_14, %swap3A_15], %mul3A {strides = array<i32>} : memref<1024x128xf32, #tpu.memory_space<vmem>>, vector<1024x128xf32>,
    return
  }
  func.func @transform_0(%arg0: i32) -> (i32, i32, i32) {
    %c0_i32 = arith.constant 0 : i32
    %c0_i32_0 = arith.constant 0 : i32
    %c0_i32_1 = arith.constant 0 : i32
    return %c0_i32, %arg0, %c0_i32_0 : i32, i32, i32
  }
  func.func @transform_1(%arg0: i32) -> (i32, i32) {
    %c0_i32 = arith.constant 0 : i32
    %c0_i32_0 = arith.constant 0 : i32
    return %arg0, %c0_i32 : i32, i32
  }
  func.func @transform_2(%arg0: i32) -> (i32, i32) {
    %c0_i32 = arith.constant 0 : i32
    %c0_i32_0 = arith.constant 0 : i32
    return %arg0, %c0_i32 : i32, i32
  }
  func.func @transform_3(%arg0: i32) -> (i32, i32) {
    %c0_i32 = arith.constant 0 : i32
    %c0_i32_0 = arith.constant 0 : i32
    return %arg0, %c0_i32 : i32, i32
  }
}

module attributes {stable_mosaic.version = 14 : i64} {
  func.func @body(%arg0: i32, %arg1: memref<2x1024x128xf32, #tpu.memory_space<vmem>>, %arg2: memref<1024x128xf32, #tpu.memory_space<vmem>>, %arg3: memref<1024x128xf32, #tpu.memory_space<vmem>>, %arg4: memref<1x128xf32, #tpu.memory_space<vmem>>, %arg5: memref<128x128xf32, #tpu.memory_space<vmem>>, %arg6: memref<1024x128xf32, #tpu.memory_space<vmem>>) attributes {dimension_semantics = [#tpu.dimension_semantics<arbitrary>], iteration_bounds = array<i64: 10>, scalar_prefetch = 0 : i64, scratch_operands = 0 : i64, tpu.core_type = #tpu.core_type<tc>, window_params = [{transform_indices = @transform_0, window_bounds = array<i64: 2, 1024, 128>}, {transform_indices = @transform_1, window_bounds = array<i64: 1024, 128>}, {transform_indices = @transform_2, window_bounds = array<i64: 1024, 128>}, {pipeline_mode = #tpu.pipeline_mode<synchronous>, transform_indices = @transform_3, window_bounds = array<i64: 1, 128>}, {pipeline_mode = #tpu.pipeline_mode<synchronous>, transform_indices = @transform_4, window_bounds = array<i64: 128, 128>}, {transform_indices = @transform_5, window_bounds = array<i64: 1024, 128>}]} {
    %get3A = arith.constant 0 : index
    %get3A_0 = arith.constant 0 : index
    %get3A_1 = vector.load %arg3[%get3A, %get3A_0] : memref<1024x128xf32, #tpu.memory_space<vmem>>, vector<1024x128xf32>
    %get3A_2 = arith.constant 0 : index
    %get3A_3 = arith.constant 0 : index
    %get3A_4 = arith.constant 0 : index
    %get3A_5 = vector.load %arg1[%get3A_2, %get3A_3, %get3A_4] : memref<2x1024x128xf32, #tpu.memory_space<vmem>>, vector<1x1024x128xf32>
    %get3A_6 = vector.shape_cast %get3A_5 : vector<1x1024x128xf32> to vector<1024x128xf32>
    %get3A_7 = arith.constant 1 : index
    %get3A_8 = arith.constant 0 : index
    %get3A_9 = arith.constant 0 : index
    %get3A_10 = vector.load %arg1[%get3A_7, %get3A_8, %get3A_9] : memref<2x1024x128xf32, #tpu.memory_space<vmem>>, vector<1x1024x128xf32>
    %get3A_11 = vector.shape_cast %get3A_10 : vector<1x1024x128xf32> to vector<1024x128xf32>
    %add3A = arith.addf %get3A_6, %get3A_11 : vector<1024x128xf32>
    %get3A_12 = arith.constant 0 : index
    %get3A_13 = arith.constant 0 : index
    %get3A_14 = vector.load %arg2[%get3A_12, %get3A_13] : memref<1024x128xf32, #tpu.memory_space<vmem>>, vector<1024x128xf32>
    %add3A_15 = arith.addf %add3A, %get3A_14 : vector<1024x128xf32>
    %mul3A = arith.mulf %add3A_15, %get3A_1 : vector<1024x128xf32>
    %get3A_16 = arith.constant 0 : index
    %get3A_17 = arith.constant 0 : index
    %get3A_18 = vector.load %arg4[%get3A_16, %get3A_17] : memref<1x128xf32, #tpu.memory_space<vmem>>, vector<1x128xf32>
    %add3A_19 = vector.broadcast %get3A_18 : vector<1x128xf32> to vector<1024x128xf32>
    %add3A_20 = arith.addf %mul3A, %add3A_19 : vector<1024x128xf32>
    %max3A = arith.constant 0.000000e+00 : f32
    %max3A_21 = vector.broadcast %max3A : f32 to vector<1024x128xf32>
    %max3A_22 = arith.maximumf %add3A_20, %max3A_21 : vector<1024x128xf32>
    %get3A_23 = arith.constant 0 : index
    %get3A_24 = arith.constant 0 : index
    %get3A_25 = vector.load %arg5[%get3A_23, %get3A_24] : memref<128x128xf32, #tpu.memory_space<vmem>>, vector<128x128xf32>
    %dot_general3A = arith.constant dense<0.000000e+00> : vector<1024x128xf32>
    %dot_general3A_26 = tpu.matmul %max3A_22, %get3A_25, %dot_general3A {dimension_numbers = #tpu.dot_dimension_numbers<[1], [0], [0], [1], [0, 0, 1, 1], [], []>, transpose_lhs_hint = false} : vector<1024x128xf32>, vector<128x128xf32>, vector<1024x128xf32> -> vector<1024x128xf32>
    %mul3A_27 = arith.mulf %dot_general3A_26, %get3A_1 : vector<1024x128xf32>
    %swap3A = arith.constant 0 : index
    %swap3A_28 = arith.constant 0 : index
    %swap3A_29 = vector.load %arg6[%swap3A, %swap3A_28] : memref<1024x128xf32, #tpu.memory_space<vmem>>, vector<1024x128xf32>
    tpu.vector_store %arg6[%swap3A, %swap3A_28], %mul3A_27 {strides = array<i32>} : memref<1024x128xf32, #tpu.memory_space<vmem>>, vector<1024x128xf32>,
    return
  }
  func.func @transform_0(%arg0: i32) -> (i32, i32, i32) {
    %c0_i32 = arith.constant 0 : i32
    %c0_i32_0 = arith.constant 0 : i32
    %c0_i32_1 = arith.constant 0 : i32
    return %c0_i32, %arg0, %c0_i32_0 : i32, i32, i32
  }
  func.func @transform_1(%arg0: i32) -> (i32, i32) {
    %c0_i32 = arith.constant 0 : i32
    %c0_i32_0 = arith.constant 0 : i32
    return %arg0, %c0_i32 : i32, i32
  }
  func.func @transform_2(%arg0: i32) -> (i32, i32) {
    %c0_i32 = arith.constant 0 : i32
    %c0_i32_0 = arith.constant 0 : i32
    return %arg0, %c0_i32 : i32, i32
  }
  func.func @transform_3(%arg0: i32) -> (i32, i32) {
    %c0_i32 = arith.constant 0 : i32
    %c0_i32_0 = arith.constant 0 : i32
    %c0_i32_1 = arith.constant 0 : i32
    return %c0_i32, %c0_i32_0 : i32, i32
  }
  func.func @transform_4(%arg0: i32) -> (i32, i32) {
    %c0_i32 = arith.constant 0 : i32
    %c0_i32_0 = arith.constant 0 : i32
    %c0_i32_1 = arith.constant 0 : i32
    return %c0_i32, %c0_i32_0 : i32, i32
  }
  func.func @transform_5(%arg0: i32) -> (i32, i32) {
    %c0_i32 = arith.constant 0 : i32
    %c0_i32_0 = arith.constant 0 : i32
    return %arg0, %c0_i32 : i32, i32
  }
}

module attributes {stable_mosaic.version = 14 : i64} {
  func.func @body(%arg0: i32, %arg1: memref<2x1024x128xf32, #tpu.memory_space<vmem>>, %arg2: memref<1024x128xf32, #tpu.memory_space<vmem>>, %arg3: memref<1024x128xf32, #tpu.memory_space<vmem>>, %arg4: memref<1x128xf32, #tpu.memory_space<vmem>>, %arg5: memref<1024x128xf32, #tpu.memory_space<vmem>>) attributes {dimension_semantics = [#tpu.dimension_semantics<arbitrary>], iteration_bounds = array<i64: 10>, scalar_prefetch = 0 : i64, scratch_operands = 0 : i64, tpu.core_type = #tpu.core_type<tc>, window_params = [{transform_indices = @transform_0, window_bounds = array<i64: 2, 1024, 128>}, {transform_indices = @transform_1, window_bounds = array<i64: 1024, 128>}, {transform_indices = @transform_2, window_bounds = array<i64: 1024, 128>}, {pipeline_mode = #tpu.pipeline_mode<synchronous>, transform_indices = @transform_3, window_bounds = array<i64: 1, 128>}, {transform_indices = @transform_4, window_bounds = array<i64: 1024, 128>}]} {
    %get3A = arith.constant 0 : index
    %get3A_0 = arith.constant 0 : index
    %get3A_1 = arith.constant 0 : index
    %get3A_2 = vector.load %arg1[%get3A, %get3A_0, %get3A_1] : memref<2x1024x128xf32, #tpu.memory_space<vmem>>, vector<1x1024x128xf32>
    %get3A_3 = vector.shape_cast %get3A_2 : vector<1x1024x128xf32> to vector<1024x128xf32>
    %get3A_4 = arith.constant 1 : index
    %get3A_5 = arith.constant 0 : index
    %get3A_6 = arith.constant 0 : index
    %get3A_7 = vector.load %arg1[%get3A_4, %get3A_5, %get3A_6] : memref<2x1024x128xf32, #tpu.memory_space<vmem>>, vector<1x1024x128xf32>
    %get3A_8 = vector.shape_cast %get3A_7 : vector<1x1024x128xf32> to vector<1024x128xf32>
    %add3A = arith.addf %get3A_3, %get3A_8 : vector<1024x128xf32>
    %get3A_9 = arith.constant 0 : index
    %get3A_10 = arith.constant 0 : index
    %get3A_11 = vector.load %arg2[%get3A_9, %get3A_10] : memref<1024x128xf32, #tpu.memory_space<vmem>>, vector<1024x128xf32>
    %add3A_12 = arith.addf %add3A, %get3A_11 : vector<1024x128xf32>
    %get3A_13 = arith.constant 0 : index
    %get3A_14 = arith.constant 0 : index
    %get3A_15 = vector.load %arg3[%get3A_13, %get3A_14] : memref<1024x128xf32, #tpu.memory_space<vmem>>, vector<1024x128xf32>
    %mul3A = arith.mulf %add3A_12, %get3A_15 : vector<1024x128xf32>
    %get3A_16 = arith.constant 0 : index
    %get3A_17 = arith.constant 0 : index
    %get3A_18 = vector.load %arg4[%get3A_16, %get3A_17] : memref<1x128xf32, #tpu.memory_space<vmem>>, vector<1x128xf32>
    %add3A_19 = vector.broadcast %get3A_18 : vector<1x128xf32> to vector<1024x128xf32>
    %add3A_20 = arith.addf %mul3A, %add3A_19 : vector<1024x128xf32>
    %swap3A = arith.constant 0 : index
    %swap3A_21 = arith.constant 0 : index
    %swap3A_22 = vector.load %arg5[%swap3A, %swap3A_21] : memref<1024x128xf32, #tpu.memory_space<vmem>>, vector<1024x128xf32>
    tpu.vector_store %arg5[%swap3A, %swap3A_21], %add3A_20 {strides = array<i32>} : memref<1024x128xf32, #tpu.memory_space<vmem>>, vector<1024x128xf32>,
    return
  }
  func.func @transform_0(%arg0: i32) -> (i32, i32, i32) {
    %c0_i32 = arith.constant 0 : i32
    %c0_i32_0 = arith.constant 0 : i32
    %c0_i32_1 = arith.constant 0 : i32
    return %c0_i32, %arg0, %c0_i32_0 : i32, i32, i32
  }
  func.func @transform_1(%arg0: i32) -> (i32, i32) {
    %c0_i32 = arith.constant 0 : i32
    %c0_i32_0 = arith.constant 0 : i32
    return %arg0, %c0_i32 : i32, i32
  }
  func.func @transform_2(%arg0: i32) -> (i32, i32) {
    %c0_i32 = arith.constant 0 : i32
    %c0_i32_0 = arith.constant 0 : i32
    return %arg0, %c0_i32 : i32, i32
  }
  func.func @transform_3(%arg0: i32) -> (i32, i32) {
    %c0_i32 = arith.constant 0 : i32
    %c0_i32_0 = arith.constant 0 : i32
    %c0_i32_1 = arith.constant 0 : i32
    return %c0_i32, %c0_i32_0 : i32, i32
  }
  func.func @transform_4(%arg0: i32) -> (i32, i32) {
    %c0_i32 = arith.constant 0 : i32
    %c0_i32_0 = arith.constant 0 : i32
    return %arg0, %c0_i32 : i32, i32
  }
}

</mosaic_0001>

<sc_bundles>
// kernel: kernel.12.cloned.1.call-start
scs
__scs_entry_jumppad:
0x0: {  	(pc) =	sbr.rel $0x88, $3  }
0x1: {  	(tag) =	ssettag $0x0;
	lr =	simm.s32 $0x1  }
0x2: {  	[smem:$0x3F9B] =	sst lr;
	_ =	strace $0xD0000000  }
0x3: {  	_ = 	snop  }
0x4: {  	_ = 	snop  }
0x5: {  	_ = 	snop  }
0x6: {  	_ = 	snop  }
0x7: {  	_ = 	snop  }
__scs_overlays_trampoline_lowered:
0x8: {  	[smem:$0x3FAA] =	sst s0  }
0x9: {  	[smem:$0x3FAB] =	sst s1  }
0xa: {  	[smem:$0x3FAC] =	sst s2  }
0xb: {  	[smem:$0x3FAD] =	sst s3  }
0xc: {  	[smem:$0x3FAE] =	sst s4  }
0xd: {  	[smem:$0x3FAF] =	sst s5  }
0xe: {  	[smem:$0x3FB0] =	sst s6  }
0xf: {  	[smem:$0x3FB1] =	sst s7  }
0x10: {  	[smem:$0x3FB2] =	sst s8  }
0x11: {  	[smem:$0x3FB3] =	sst s9;
	s0 =	simm.s32 @!p0 $0x0  }
0x12: {  	s1 =	sld [smem:$0x3F99];
	s0 =	simm.s32 @p0 $0x1  }
0x13: {  	[smem:$0x3FB4] =	sst s0;
	s0 =	simm.s32 @!p1 $0x0  }
0x14: {  	s2 =	sld [smem:$0x3F98];
	s0 =	simm.s32 @p1 $0x1  }
0x15: {  	[smem:$0x3FB5] =	sst s0;
	s0 =	simm.s32 @!p2 $0x0  }
0x16: {  	s3 =	sld [smem:$0x3FDB];
	s0 =	simm.s32 @p2 $0x1  }
0x17: {  	s4 =	simm.s32 $0x1BF5;
	[smem:$0x3FB7] =	sst s0  }
0x18: {  	s0 =	sld [smem:$0x3F9A];
	_ =	swait.ge [sflag:s4], $0x0  }
0x19: {  	s7 =	sld [smem:$0x3F9B]  }
0x1a: {  	s8 =	sadd.s32 $0xFFFFE003, lr  }
0x1b: {  	s9 =	sadd.s32 $0xFFFFFEF7, lr;
	s5 =	simm.s32 $0xFFFFFFFF;
	p2 =	slt.u32 s8, $0xFFFFF086  }
0x1c: {  	p1 =	slt.u32 s9, $0xF7A;
	s5 =	simm.s32 @!p2 $0x0  }
0x1d: {  	s5 =	simm.s32 @p1 $0x1;
	p0 =	seq.s32 s7, s2  }
0x1e: {  	s7 =	smul.u32 @!p0 $0xF7A, s2;
	p2 =	seq.s32 @!p0 s5, $0x0  }
0x1f: {  	s9 =	smul.u32 $0xF7A, s1;
	s8 =	simm.s32 @!p0 $0x1BF5;
	p2 =	por !p2, p0  }
0x20: {  	[sflag:s8] =	ssyncset.s32 @!p0 $0xFFFFF086;
	s6 =	sadd.s32 @!p0 s3, s7;
	s7 =	simm.s32 @!p0 $0x108  }
0x21: {  	s3 =	sadd.s32 s3, s9;
	s6 =	sadd.s32 @!p0 $0x88, s6;
	s7 =	simm.s32 @p2 $0x1082  }
0x22: {  	[simem:s7], [sflag:s8] =	dma.local @!p0 [hbm:s6], $0xF7A  }
0x23: {  	s9 =	sor.u32 $0xD0000000, s2;
	s6 =	simm.s32 $0x108;
	_ =	swait.ge @!p0 [sflag:s8], $0x0  }
0x24: {  	s3 =	sadd.s32 $0x88, s3;
	s6 =	simm.s32 @!p1 $0x1082;
	[sflag:s4] =	ssyncset.s32 $0xFFFFF086  }
0x25: {  	[simem:s6], [sflag:s4] =	dma.local [hbm:s3], $0xF7A  }
0x26: {  	[smem:$0x3F9B] =	sst s1;
	(tag) =	ssettag s2;
	_ =	strace s9  }
0x27: {  	s1 =	sld [smem:$0x3FAB]  }
0x28: {  	s2 =	sld [smem:$0x3FAC]  }
0x29: {  	s4 =	sld [smem:$0x3FAE]  }
0x2a: {  	p0 =	seq.s32 s5, $0x0;
	s5 =	sld [smem:$0x3FAF]  }
0x2b: {  	s6 =	sld [smem:$0x3FB0]  }
0x2c: {  	s7 =	sld [smem:$0x3FB1]  }
0x2d: {  	s3 =	simm.s32 $0x108;
	s8 =	sld [smem:$0x3FB2]  }
0x2e: {  	s3 =	simm.s32 @!p0 $0x1082;
	s9 =	sld [smem:$0x3FB3]  }
0x2f: {  	lr =	sadd.s32 s0, s3;
	s0 =	sld [smem:$0x3FAA]  }
0x30: {  	s3 =	sld [smem:$0x3FAD]  }
0x31: {  	[smem:$0x3FB6] =	sst s10  }
0x32: {  	s10 =	sld [smem:$0x3FB4];
	_ =	sdelay $0x3  }
0x33: {  	p0 =	seq.s32 s10, $0x1;
	s10 =	sld [smem:$0x3FB6];
	_ =	sdelay $0x3  }
0x34: {  	[smem:$0x3FB6] =	sst s10  }
0x35: {  	s10 =	sld [smem:$0x3FB5];
	_ =	sdelay $0x3  }
0x36: {  	p1 =	seq.s32 s10, $0x1;
	s10 =	sld [smem:$0x3FB6];
	_ =	sdelay $0x3  }
0x37: {  	[smem:$0x3FB6] =	sst s10  }
0x38: {  	s10 =	sld [smem:$0x3FB7]  }
0x39: {  	_ = 	snop;
	(pc) =	sbr.ind lr, $3  }
0x3a: {  	_ = 	snop  }
0x3b: {  	_ = 	snop  }
0x3c: {  	p2 =	seq.s32 s10, $0x1;
	s10 =	sld [smem:$0x3FB6]  }
0x3d: {  	_ =	shalt  }
0x3e: {  	_ =	shalt  }
0x3f: {  	_ =	shalt  }
0x40: {  	_ =	shalt  }
0x41: {  	_ =	shalt  }
0x42: {  	_ =	shalt  }
0x43: {  	_ =	shalt  }
0x44: {  	_ =	shalt  }
0x45: {  	_ =	shalt  }
0x46: {  	_ =	shalt  }
0x47: {  	_ =	shalt  }
0x48: {  	_ =	shalt  }
0x49: {  	_ =	shalt  }
0x4a: {  	_ =	shalt  }
0x4b: {  	_ =	shalt  }
0x4c: {  	_ =	shalt  }
0x4d: {  	_ =	shalt  }
0x4e: {  	_ =	shalt  }
0x4f: {  	_ =	shalt  }
0x50: {  	_ =	shalt  }
0x51: {  	_ =	shalt  }
0x52: {  	_ =	shalt  }
0x53: {  	_ =	shalt  }
0x54: {  	_ =	shalt  }
0x55: {  	_ =	shalt  }
0x56: {  	_ =	shalt  }
0x57: {  	_ =	shalt  }
0x58: {  	_ =	shalt  }
0x59: {  	_ =	shalt  }
0x5a: {  	_ =	shalt  }
0x5b: {  	_ =	shalt  }
0x5c: {  	_ =	shalt  }
0x5d: {  	_ =	shalt  }
0x5e: {  	_ =	shalt  }
0x5f: {  	_ =	shalt  }
0x60: {  	_ =	shalt  }
0x61: {  	_ =	shalt  }
0x62: {  	_ =	shalt  }
0x63: {  	_ =	shalt  }
0x64: {  	_ =	shalt  }
0x65: {  	_ =	shalt  }
0x66: {  	_ =	shalt  }
0x67: {  	_ =	shalt  }
0x68: {  	_ =	shalt  }
0x69: {  	_ =	shalt  }
0x6a: {  	_ =	shalt  }
0x6b: {  	_ =	shalt  }
0x6c: {  	_ =	shalt  }
0x6d: {  	_ =	shalt  }
0x6e: {  	_ =	shalt  }
0x6f: {  	_ =	shalt  }
0x70: {  	_ =	shalt  }
0x71: {  	_ =	shalt  }
0x72: {  	_ =	shalt  }
0x73: {  	_ =	shalt  }
0x74: {  	_ =	shalt  }
0x75: {  	_ =	shalt  }
0x76: {  	_ =	shalt  }
0x77: {  	_ =	shalt  }
0x78: {  	_ =	shalt  }
0x79: {  	_ =	shalt  }
0x7a: {  	_ =	shalt  }
0x7b: {  	_ =	shalt  }
0x7c: {  	_ =	shalt  }
0x7d: {  	_ =	shalt  }
0x7e: {  	_ =	shalt  }
0x7f: {  	_ =	shalt  }
0x80: {  	_ =	shalt  }
0x81: {  	_ =	shalt  }
0x82: {  	_ =	shalt  }
0x83: {  	_ =	shalt  }
0x84: {  	_ =	shalt  }
0x85: {  	_ =	shalt  }
0x86: {  	_ =	shalt  }
0x87: {  	_ =	shalt  }
.Lfunc_end0:
.L_simem_size_0:
called_computation.1_lowered:
.L_overlay_start_0:
0x88: {  	s2 =	sld [smem:$0x3FD9]  }
0x89: {  	s3 =	sld [smem:$0x3FFE];
	_ =	sdelay $0x1  }
0x8a: {  	s1 =	srdreg.scid  }
0x8b: {  	s0 =	sand.u32 $0x1, s1  }
0x8c: {  	s17 =	sshll.u32 s0, $0xA;
	s2 =	sadd.s32 s3, s2  }
0x8d: {  	s2 =	sadd.s32 s2, s17  }
0x8e: {  	[smem:$0x3FC2] =	sst s2  }
0x8f: {  	_ = 	snop  }
0x90: {  	s2 =	sld [smem:$0x3FD0];
	(tm) =	ssettm $0x1  }
0x91: {  	s18 =	sld [smem:$0x3FFB];
	_ =	sdelay $0x3  }
0x92: {  	_ =	strace s18  }
0x93: {  	s3 =	sld [smem:$0x3FFC];
	_ =	sdelay $0x3  }
0x94: {  	_ =	strace s3  }
0x95: {  	s3 =	sld [smem:$0x3FFD];
	_ =	sdelay $0x3  }
0x96: {  	_ =	strace s3  }
0x97: {  	_ =	strace $0x8FFFFFFF  }
0x98: {  	s19 =	sld [smem:$0x3FDB];
	_ =	sdelay $0x1  }
0x99: {  	s4 =	simm.s32 $_scs_section_size  }
0x9a: {  	s5 =	simm.s32 $_size__tile_overlayer_lowered;
	s6 =	simm.s32 $_tile_overlayer_lowered  }
0x9b: {  	s22 =	simm.s32 $0x1BFF;
	s21 =	sshll.u32 s6, $0x1;
	s3 =	sadd.s32 s4, s19  }
0x9c: {  	s7 =	simm.s32 $0x0;
	s20 =	sshll.u32 s5, $0x1;
	s5 =	sadd.s32 s21, s3  }
0x9d: {  	[timem:s7], [sflag:s22] =	dma.local [hbm:s5], s20  }
0x9e: {  	_ =	swait.ge [sflag:s22], s20  }
0x9f: {  	s4 =	ssub.s32 $0x0, s20;
	[sflag:s22] =	ssyncset.done $0x0  }
0xa0: {  	[sflag:s22] =	ssyncadd.s32 s4;
	_ =	sdelay $0x1  }
0xa1: {  	s23 =	simm.s32 $0x1B8B  }
0xa2: {  	_ =	swait.ge [sflag:s23], $0x1  }
0xa3: {  	[sflag:s23] =	ssyncset.done $0x0  }
0xa4: {  	s25 =	simm.s32 $0x1B8E;
	s24 =	sld [smem:$0x3FFE];
	[sflag:s23] =	ssyncadd.s32 $0xFFFFFFFF  }
0xa5: {  	s26 =	simm.s32 $execute0_lowered;
	[smem:$0x3FD2] =	sst s25  }
0xa6: {  	s5 =	sshll.u32 s26, $0x1;
	_ =	strace $0x80000049;
	[dreg:$0x1] =	wrdreg $0xFFFFFFFF  }
0xa7: {  	s28 =	simm.s32 $_size_execute0_lowered;
	s3 =	sadd.s32 s3, s5;
	[dreg:$0x0] =	wrdreg $0x0  }
0xa8: {  	s5 =	sshll.u32 s28, $0x1;
	[dreg:$0x2] =	wrdreg s3  }
0xa9: {  	[dreg:$0x3] =	wrdreg s5  }
0xaa: {  	[dreg:$0x4] =	wrdreg $0xC0  }
0xab: {  	_ =	task [dreg:s7], $0x5FFFF  }
0xac: {  	[dreg:$0x1] =	wrdreg $0xFFFFFFFF  }
0xad: {  	[dreg:$0x0] =	wrdreg $0x60  }
0xae: {  	[dreg:$0x2] =	wrdreg s24  }
0xaf: {  	[dreg:$0x3] =	wrdreg s2  }
0xb0: {  	[dreg:$0x4] =	wrdreg $0xA9000  }
0xb1: {  	[dreg:$0x5] =	wrdreg $0x9  }
0xb2: {  	_ =	task.clear_ibuf [dreg:s7], $0x6FFFF;
	_ =	strace $0x90000049  }
0xb3: {  	s29 =	simm.s32 $0x9;
	_ =	strace $0x8000004B  }
0xb4: {  	_ =	swait.ge [sflag:s29], $0x1  }
0xb5: {  	[sflag:s29] =	ssyncadd.s32 $0xFFFFFFFF  }
0xb6: {  	_ =	strace $0x9000004B  }
0xb7: {  	_ =	sfence  }
0xb8: {  	s30 =	sld [smem:$0x0];
	_ =	sdelay $0x2  }
0xb9: {  	s31 =	sshll.u32 s1, $0xD;
	s1 =	sshrl.u32 s1, $0x2  }
0xba: {  	s3 =	sand.u32 $0x4000, s31;
	s1 =	sadd.s32 s1, s30  }
0xbb: {  	s0 =	sor.u32 s3, s0;
	s1 =	sshll.u32 s1, $0x11  }
0xbc: {  	s0 =	sor.u32 s1, s0  }
0xbd: {  	s0 =	sadd.s32 $0x8F2B, s0  }
0xbe: {  	[sflag:s0] =	ssyncadd.remote.s32 $0x1  }
0xbf: {  	_ =	sfence.sel $0xFFFF  }
0xc0: {  	[dreg:$0x0] =	wrdreg $0xFFFFFFFF;
	(pc) =	sbr.abs _section_cstart, $3  }
0xc1: {  	[dreg:$0x1] =	wrdreg $0xFFFFFFFF  }
0xc2: {  	_ =	task.clear_ibuf [dreg:s7], $0x2FFFF;
	_ =	strace $0x9FFFFFFF  }
0xc3: {  	(tm) =	ssettm $0x7FFFFFFF  }
tec
execute0_lowered:
.L_overlay_start_1:
0x0: {  	(tag) =	ssettag $0x1  }
0x1: {  	s8 =	rddreg [dreg:$0x0]  }
0x2: {  	s2 =	rddreg [dreg:$0x1]  }
0x3: {  	s0 =	srdreg.scid;
	s3 =	rddreg [dreg:$0x2];
	s5 =	simm.s32 $0x0  }
0x4: {  	s17 =	simm.s32 $0x80;
	s18 =	simm.s32 $0x6900;
	s19 =	simm.s32 $0x2880  }
0x5: {  	s20 =	simm.s32 $0x1;
	s21 =	simm.s32 $0x4;
	s22 =	simm.s32 $0x2  }
0x6: {  	s23 =	simm.s32 $0x0;
	s7 =	sand.u32 $0x1, s0;
	s0 =	stileid.u32  }
0x7: {  	[smem:$0x7FF] =	sst s5;
	s6 =	sadd.s32 $0x2A800, s8;
	s9 =	smul.u32 $0x14000, s0  }
0x8: {  	s1 =	sshll.u32 s7, $0x4;
	s10 =	smul.u32 $0x140000, s7;
	s7 =	ssub.s32 $0x2, s7  }
0x9: {  	s28 =	smul.u32 $0x50000, s0;
	s31 =	sshll.u32 s0, $0x6;
	s1 =	sor.u32 s0, s1  }
0xa: {  	s29 =	sshrl.u32 s7, $0x1;
	s4 =	smul.u32 $0x2800, s1;
	s1 =	rddreg [dreg:$0x3]  }
0xb: {  	_ =	strace $0x8000004A;
	s13 =	sshrl.u32 s9, $0x3;
	s9 =	sadd.s32 s9, s10  }
0xc: {  	s15 =	ssub.s32 s7, s29;
	s30 =	sshrl.u32 s28, $0x2;
	s9 =	sshrl.u32 s9, $0x3  }
0xd: {  	s13 =	sadd.s32 s13, s8;
	s16 =	sadd.s32 s30, s3;
	s11 =	sshrl.u32 s4, $0x3  }
0xe: {  	s14 =	sadd.s32 s9, s8;
	s12 =	sadd.s32 s11, s8;
	s8 =	sadd.s32 $0x2800, s13  }
0xf: {  	s9 =	sadd.s32 s2, s11;
	s10 =	sadd.s32 $0x85000, s14;
	s11 =	smax.u32 s15, $0x1  }
0x10: {  	s13 =	sor.u32 $0x1C03, s31;
	s14 =	sshrl.u32 s16, $0x3;
	s15 =	simm.s32 $0x2900  }
0x11: {  	s16 =	simm.s32 $0x2800;
	s7 =	sadd.s32 $0x7B000, s12;
	s12 =	simm.s32 $0x3  }
.LBB2_1:
0x12: {  	[tilespmem:s5], [sflag:$0x3] =	stream.linear.gather [hbm4b:s7+s5], $0x2780, $0x38;
	[tilespmem:$0x1E900] =	vst v63  }
0x13: {  	_ =	swait.ge [sflag:s12], $0x2780  }
0x14: {  	[sflag:s12] =	ssyncset.done $0x0  }
0x15: {  	[sflag:s12] =	ssyncadd.s32 $0xFFFFD880  }
0x16: {  	[spmem:s14], [sflag:s13] =	dma.local [hbm:s8], $0x2800  }
0x17: {  	_ =	swait.ge [sflag:s12], $0x2800  }
0x18: {  	s24 =	simm.s32 $0x0;
	[sflag:s12] =	ssyncset.done $0x0  }
0x19: {  	s25 =	simm.s32 $0x80;
	s24 =	sand.u32 $0x3C00, s24;
	[sflag:s12] =	ssyncadd.s32 $0xFFFFD800  }
0x1a: {  	s25 =	sand.u32 $0x380, s25;
	s24 =	sadd.s32 s4, s24;
	[bflag:$0x0] =	sbarrier.arrive $0xFFFF  }
0x1b: {  	[tilespmem:s15], [sflag:$0x1] =	stream.indirect.gather [hbm4b:s6+s17], $0x80, s5, s17, $0xb8;
	[tilespmem:$0x1E900] =	vst v63  }
0x1c: {  	s24 =	sor.u32 s24, s25  }
0x1d: {  	[tilespmem:s16], [sflag:$0x1] =	stream.linear.gather [hbm4b:s9+s5], $0x80, $0x38;
	[tilespmem:$0x1E900] =	vst v63  }
0x1e: {  	s24 =	sshrl.u32 s24, $0x3  }
0x1f: {  	[tilespmem:s18], [sflag:$0x2] =	stream.indirect.gather [hbm4b:s6+s17], $0x80, s17, s17, $0xb8;
	[tilespmem:$0x1E900] =	vst v63  }
0x20: {  	s24 =	sadd.s32 s2, s24  }
0x21: {  	[tilespmem:s19], [sflag:$0x2] =	stream.linear.gather [hbm4b:s24+s5], $0x80, $0x38;
	[tilespmem:$0x1E900] =	vst v63  }
0x22: {  	_ =	swait.ge [sflag:s20], $0x4000  }
0x23: {  	[sflag:s20] =	ssyncset.done $0x0  }
0x24: {  	[sflag:s20] =	ssyncadd.s32 $0xFFFFC000  }
0x25: {  	_ =	swait.ge [sflag:s20], $0x80  }
0x26: {  	s31 =	simm.s32 $0x100;
	[sflag:s20] =	ssyncset.done $0x0  }
0x27: {  	s26 =	sand.u32 $0x7C00, s31;
	[sflag:s20] =	ssyncadd.s32 $0xFFFFFF80  }
0x28: {  	[spmem:s3] =	stream.indirect.scatter.add.f32 [tilespmem:s15], [sflag:$0x4], $0x80, s16, s17, $0xb8;
	[tilespmem:$0x1E900] =	vst v63  }
0x29: {  	s25 =	sadd.s32 s4, s26;
	s24 =	sand.u32 $0x300, s31;
	_ =	swait.ge [sflag:s21], $0x4000  }
0x2a: {  	s24 =	sor.u32 s24, s25;
	[sflag:s21] =	ssyncset.done $0x0  }
0x2b: {  	s26 =	simm.s32 $0x100;
	s24 =	sshrl.u32 s24, $0x3;
	[sflag:s21] =	ssyncadd.s32 $0xFFFFC000  }
0x2c: {  	[tilespmem:s15], [sflag:$0x1] =	stream.indirect.gather [hbm4b:s6+s17], $0x80, s26, s17, $0xb8;
	[tilespmem:$0x1E900] =	vst v63  }
0x2d: {  	s24 =	sadd.s32 s2, s24  }
0x2e: {  	[tilespmem:s16], [sflag:$0x1] =	stream.linear.gather [hbm4b:s24+s5], $0x80, $0x38;
	[tilespmem:$0x1E900] =	vst v63  }
0x2f: {  	_ =	swait.ge [sflag:s22], $0x4000  }
0x30: {  	s28 =	simm.s32 $0x300;
	s30 =	simm.s32 $0x180;
	[sflag:s22] =	ssyncset.done $0x0  }
0x31: {  	s31 =	simm.s32 $0x100;
	s25 =	simm.s32 $0x200;
	[sflag:s22] =	ssyncadd.s32 $0xFFFFC000  }
0x32: {  	s29 =	sand.u32 $0x3C00, s31;
	s24 =	simm.s32 $0x180;
	_ =	swait.ge [sflag:s22], $0x80  }
.LBB2_2:
0x33: {  	s29 =	sadd.s32 s4, s29  }
0x34: {  	s30 =	sand.u32 $0x380, s30;
	[sflag:s22] =	ssyncset.done $0x0;
	s31 =	smov.u32 s28  }
0x35: {  	s26 =	sadd.s32 $0x100, s28;
	s29 =	sor.u32 s29, s30;
	[sflag:s22] =	ssyncadd.s32 $0xFFFFFF80  }
0x36: {  	[spmem:s3] =	stream.indirect.scatter.add.f32 [tilespmem:s18], [sflag:$0x3], $0x80, s19, s17, $0xb8;
	[tilespmem:$0x1E900] =	vst v63  }
0x37: {  	p0 =	sne.s32 s28, $0x2700;
	s28 =	sshrl.u32 s29, $0x3;
	_ =	swait.ge [sflag:s12], $0x4000  }
0x38: {  	[sflag:s12] =	ssyncset.done $0x0  }
0x39: {  	[sflag:s12] =	ssyncadd.s32 $0xFFFFC000  }
0x3a: {  	[tilespmem:s18], [sflag:$0x2] =	stream.indirect.gather [hbm4b:s6+s17], $0x80, s24, s17, $0xb8;
	[tilespmem:$0x1E900] =	vst v63  }
0x3b: {  	s28 =	sadd.s32 s2, s28  }
0x3c: {  	[tilespmem:s19], [sflag:$0x2] =	stream.linear.gather [hbm4b:s28+s5], $0x80, $0x38;
	[tilespmem:$0x1E900] =	vst v63  }
0x3d: {  	_ =	swait.ge [sflag:s20], $0x4000  }
0x3e: {  	[sflag:s20] =	ssyncset.done $0x0  }
0x3f: {  	[sflag:s20] =	ssyncadd.s32 $0xFFFFC000  }
0x40: {  	_ =	swait.ge [sflag:s20], $0x80  }
0x41: {  	[sflag:s20] =	ssyncset.done $0x0  }
0x42: {  	[sflag:s20] =	ssyncadd.s32 $0xFFFFFF80  }
0x43: {  	[spmem:s3] =	stream.indirect.scatter.add.f32 [tilespmem:s15], [sflag:$0x4], $0x80, s16, s17, $0xb8;
	[tilespmem:$0x1E900] =	vst v63  }
0x44: {  	s28 =	sand.u32 $0x7C00, s25;
	_ =	swait.ge [sflag:s21], $0x4000  }
0x45: {  	s25 =	sand.u32 $0x300, s25;
	s28 =	sadd.s32 s4, s28;
	[sflag:s21] =	ssyncset.done $0x0  }
0x46: {  	s29 =	sadd.s32 $0x80, s24;
	s25 =	sor.u32 s25, s28;
	[sflag:s21] =	ssyncadd.s32 $0xFFFFC000  }
0x47: {  	[tilespmem:s15], [sflag:$0x1] =	stream.indirect.gather [hbm4b:s6+s17], $0x80, s29, s17, $0xb8;
	[tilespmem:$0x1E900] =	vst v63  }
0x48: {  	s28 =	sshrl.u32 s25, $0x3;
	s25 =	smov.u32 s31  }
0x49: {  	s28 =	sadd.s32 s2, s28  }
0x4a: {  	[tilespmem:s16], [sflag:$0x1] =	stream.linear.gather [hbm4b:s28+s5], $0x80, $0x38;
	[tilespmem:$0x1E900] =	vst v63  }
.Ltmp0:
0x4b: {  	_ = 	snop;
	(pc) =	sbr.rel @p0 .LBB2_2-.Ltmp0, $4  }
0x4c: {  	_ =	swait.ge [sflag:s22], $0x4000  }
0x4d: {  	s24 =	sadd.s32 $0x100, s24;
	[sflag:s22] =	ssyncset.done $0x0  }
0x4e: {  	s30 =	sadd.s32 $0xFFFFFF80, s25;
	s28 =	sadd.s32 $0xFFFFFF00, s25;
	[sflag:s22] =	ssyncadd.s32 $0xFFFFC000  }
0x4f: {  	s29 =	sand.u32 $0x3C00, s28;
	s28 =	smov.u32 s26;
	_ =	swait.ge [sflag:s22], $0x80  }
0x50: {  	[sflag:s22] =	ssyncset.done $0x0  }
0x51: {  	[sflag:s22] =	ssyncadd.s32 $0xFFFFFF80  }
0x52: {  	[spmem:s3] =	stream.indirect.scatter.add.f32 [tilespmem:s18], [sflag:$0x3], $0x80, s19, s17, $0xb8;
	[tilespmem:$0x1E900] =	vst v63  }
0x53: {  	s26 =	sadd.s32 s4, s29;
	s28 =	sand.u32 $0x380, s30;
	_ =	swait.ge [sflag:s12], $0x4000  }
0x54: {  	s26 =	sor.u32 s26, s28;
	[sflag:s12] =	ssyncset.done $0x0  }
0x55: {  	s26 =	sshrl.u32 s26, $0x3;
	[sflag:s12] =	ssyncadd.s32 $0xFFFFC000  }
0x56: {  	[tilespmem:s18], [sflag:$0x2] =	stream.indirect.gather [hbm4b:s6+s17], $0x80, s24, s17, $0xb8;
	[tilespmem:$0x1E900] =	vst v63  }
0x57: {  	s26 =	sadd.s32 s2, s26  }
0x58: {  	[tilespmem:s19], [sflag:$0x2] =	stream.linear.gather [hbm4b:s26+s5], $0x80, $0x38;
	[tilespmem:$0x1E900] =	vst v63  }
0x59: {  	_ =	swait.ge [sflag:s20], $0x4000  }
0x5a: {  	[sflag:s20] =	ssyncset.done $0x0  }
0x5b: {  	[sflag:s20] =	ssyncadd.s32 $0xFFFFC000  }
0x5c: {  	_ =	swait.ge [sflag:s20], $0x80  }
0x5d: {  	[sflag:s20] =	ssyncset.done $0x0  }
0x5e: {  	s28 =	sand.u32 $0x7C00, s25;
	[sflag:s20] =	ssyncadd.s32 $0xFFFFFF80  }
0x5f: {  	[spmem:s3] =	stream.indirect.scatter.add.f32 [tilespmem:s15], [sflag:$0x4], $0x80, s16, s17, $0xb8;
	[tilespmem:$0x1E900] =	vst v63  }
0x60: {  	s29 =	sand.u32 $0x300, s25;
	s26 =	sadd.s32 s4, s28;
	_ =	swait.ge [sflag:s21], $0x4000  }
0x61: {  	s25 =	sor.u32 s29, s26;
	[sflag:s21] =	ssyncset.done $0x0  }
0x62: {  	s30 =	sadd.s32 $0x80, s24;
	s31 =	sshrl.u32 s25, $0x3;
	[sflag:s21] =	ssyncadd.s32 $0xFFFFC000  }
0x63: {  	[tilespmem:s15], [sflag:$0x1] =	stream.indirect.gather [hbm4b:s6+s17], $0x80, s30, s17, $0xb8;
	[tilespmem:$0x1E900] =	vst v63  }
0x64: {  	s24 =	sadd.s32 s2, s31  }
0x65: {  	[tilespmem:s16], [sflag:$0x1] =	stream.linear.gather [hbm4b:s24+s5], $0x80, $0x38;
	[tilespmem:$0x1E900] =	vst v63  }
0x66: {  	_ =	swait.ge [sflag:s22], $0x4000  }
0x67: {  	[sflag:s22] =	ssyncset.done $0x0  }
0x68: {  	[sflag:s22] =	ssyncadd.s32 $0xFFFFC000  }
0x69: {  	_ =	swait.ge [sflag:s22], $0x80  }
0x6a: {  	[sflag:s22] =	ssyncset.done $0x0  }
0x6b: {  	[sflag:s22] =	ssyncadd.s32 $0xFFFFFF80  }
0x6c: {  	[spmem:s3] =	stream.indirect.scatter.add.f32 [tilespmem:s18], [sflag:$0x3], $0x80, s19, s17, $0xb8;
	[tilespmem:$0x1E900] =	vst v63  }
0x6d: {  	_ =	swait.ge [sflag:s12], $0x4000  }
0x6e: {  	[sflag:s12] =	ssyncset.done $0x0  }
0x6f: {  	[sflag:s12] =	ssyncadd.s32 $0xFFFFC000  }
0x70: {  	_ =	swait.ge [sflag:s20], $0x4000  }
0x71: {  	[sflag:s20] =	ssyncset.done $0x0  }
0x72: {  	[sflag:s20] =	ssyncadd.s32 $0xFFFFC000  }
0x73: {  	_ =	swait.ge [sflag:s20], $0x80  }
0x74: {  	[sflag:s20] =	ssyncset.done $0x0  }
0x75: {  	[sflag:s20] =	ssyncadd.s32 $0xFFFFFF80  }
0x76: {  	[spmem:s3] =	stream.indirect.scatter.add.f32 [tilespmem:s15], [sflag:$0x4], $0x80, s16, s17, $0xb8;
	[tilespmem:$0x1E900] =	vst v63  }
0x77: {  	_ =	swait.ge [sflag:s21], $0x4000  }
0x78: {  	s23 =	sadd.s32 $0x1, s23;
	[sflag:s21] =	ssyncset.done $0x0  }
0x79: {  	p0 =	sne.s32 s23, s11;
	[sflag:s21] =	ssyncadd.s32 $0xFFFFC000  }
.Ltmp1:
0x7a: {  	[bflag:$0x0] =	sbarrier.arrive $0xFFFF;
	(pc) =	sbr.rel @p0 .LBB2_1-.Ltmp1, $4  }
0x7b: {  	[hbm:s10], [sflag:s13] =	dma.local [spmem:s14], $0x2800  }
0x7c: {  	_ =	swait.ge [sflag:s12], $0x2800  }
0x7d: {  	[sflag:s12] =	ssyncset.done $0x0  }
0x7e: {  	[sflag:s12] =	ssyncadd.s32 $0xFFFFD800  }
0x7f: {  	_ =	sfence.sel $0x180000  }
0x80: {  	[bflag:$0x0] =	sbarrier.arrive $0xFFFF  }
0x81: {  	p0 =	sne.s32 s0, $0x0;
	_ =	strace $0x9000004A  }
0x82: {  	s0 =	sadd.s32 @!p0 $0x100000, s1;
	[bflag:$0x2] =	sbarrier.arrive $0xFFFF  }
0x83: {  	[sflag:s0] =	ssyncadd.tile.s32 @!p0 $0x1;
	_ =	shalt  }
.Lfunc_end2:
_tile_overlayer_lowered:
.L_overlay_start_2:
0x84: {  	(tag) =	ssettag $0x2  }
0x85: {  	s0 =	rddreg [dreg:$0x0];
	s2 =	stileid.u32  }
0x86: {  	s1 =	rddreg [dreg:$0x1];
	p0 =	sne.s32 s2, $0x0  }
0x87: {  	s3 =	rddreg [dreg:$0x2];
	[bflag:$0x3] =	sbarrier.arrive $0xFFFF;
	s2 =	simm.s32 @!p0 $0x1C03  }
0x88: {  	[timem:s3], [sflag:s2] =	dma.local @!p0 [hbm:s0], s1  }
0x89: {  	s0 =	simm.s32 @!p0 $0x3  }
0x8a: {  	_ =	swait.ge @!p0 [sflag:s0], s1  }
0x8b: {  	s1 =	ssub.s32 @!p0 $0x0, s1;
	[sflag:s0] =	ssyncset.done @!p0 $0x0  }
0x8c: {  	[sflag:s0] =	ssyncadd.s32 @!p0 s1  }
0x8d: {  	[bflag:$0x3] =	sbarrier.arrive $0xFFFF  }
0x8e: {  	_ =	shalt  }

// kernel: kernel.15.cloned.1.call-start
scs
__scs_entry_jumppad:
0x0: {  	(pc) =	sbr.rel $0x88, $3  }
0x1: {  	(tag) =	ssettag $0x0;
	lr =	simm.s32 $0x1  }
0x2: {  	[smem:$0x3F9B] =	sst lr;
	_ =	strace $0xD0000000  }
0x3: {  	_ = 	snop  }
0x4: {  	_ = 	snop  }
0x5: {  	_ = 	snop  }
0x6: {  	_ = 	snop  }
0x7: {  	_ = 	snop  }
__scs_overlays_trampoline_lowered:
0x8: {  	[smem:$0x3FAA] =	sst s0  }
0x9: {  	[smem:$0x3FAB] =	sst s1  }
0xa: {  	[smem:$0x3FAC] =	sst s2  }
0xb: {  	[smem:$0x3FAD] =	sst s3  }
0xc: {  	[smem:$0x3FAE] =	sst s4  }
0xd: {  	[smem:$0x3FAF] =	sst s5  }
0xe: {  	[smem:$0x3FB0] =	sst s6  }
0xf: {  	[smem:$0x3FB1] =	sst s7  }
0x10: {  	[smem:$0x3FB2] =	sst s8  }
0x11: {  	[smem:$0x3FB3] =	sst s9;
	s0 =	simm.s32 @!p0 $0x0  }
0x12: {  	s1 =	sld [smem:$0x3F99];
	s0 =	simm.s32 @p0 $0x1  }
0x13: {  	[smem:$0x3FB4] =	sst s0;
	s0 =	simm.s32 @!p1 $0x0  }
0x14: {  	s2 =	sld [smem:$0x3F98];
	s0 =	simm.s32 @p1 $0x1  }
0x15: {  	[smem:$0x3FB5] =	sst s0;
	s0 =	simm.s32 @!p2 $0x0  }
0x16: {  	s3 =	sld [smem:$0x3FDB];
	s0 =	simm.s32 @p2 $0x1  }
0x17: {  	s4 =	simm.s32 $0x1BF5;
	[smem:$0x3FB7] =	sst s0  }
0x18: {  	s0 =	sld [smem:$0x3F9A];
	_ =	swait.ge [sflag:s4], $0x0  }
0x19: {  	s7 =	sld [smem:$0x3F9B]  }
0x1a: {  	s8 =	sadd.s32 $0xFFFFE003, lr  }
0x1b: {  	s9 =	sadd.s32 $0xFFFFFEF7, lr;
	s5 =	simm.s32 $0xFFFFFFFF;
	p2 =	slt.u32 s8, $0xFFFFF086  }
0x1c: {  	p1 =	slt.u32 s9, $0xF7A;
	s5 =	simm.s32 @!p2 $0x0  }
0x1d: {  	s5 =	simm.s32 @p1 $0x1;
	p0 =	seq.s32 s7, s2  }
0x1e: {  	s7 =	smul.u32 @!p0 $0xF7A, s2;
	p2 =	seq.s32 @!p0 s5, $0x0  }
0x1f: {  	s9 =	smul.u32 $0xF7A, s1;
	s8 =	simm.s32 @!p0 $0x1BF5;
	p2 =	por !p2, p0  }
0x20: {  	[sflag:s8] =	ssyncset.s32 @!p0 $0xFFFFF086;
	s6 =	sadd.s32 @!p0 s3, s7;
	s7 =	simm.s32 @!p0 $0x108  }
0x21: {  	s3 =	sadd.s32 s3, s9;
	s6 =	sadd.s32 @!p0 $0x88, s6;
	s7 =	simm.s32 @p2 $0x1082  }
0x22: {  	[simem:s7], [sflag:s8] =	dma.local @!p0 [hbm:s6], $0xF7A  }
0x23: {  	s9 =	sor.u32 $0xD0000000, s2;
	s6 =	simm.s32 $0x108;
	_ =	swait.ge @!p0 [sflag:s8], $0x0  }
0x24: {  	s3 =	sadd.s32 $0x88, s3;
	s6 =	simm.s32 @!p1 $0x1082;
	[sflag:s4] =	ssyncset.s32 $0xFFFFF086  }
0x25: {  	[simem:s6], [sflag:s4] =	dma.local [hbm:s3], $0xF7A  }
0x26: {  	[smem:$0x3F9B] =	sst s1;
	(tag) =	ssettag s2;
	_ =	strace s9  }
0x27: {  	s1 =	sld [smem:$0x3FAB]  }
0x28: {  	s2 =	sld [smem:$0x3FAC]  }
0x29: {  	s4 =	sld [smem:$0x3FAE]  }
0x2a: {  	p0 =	seq.s32 s5, $0x0;
	s5 =	sld [smem:$0x3FAF]  }
0x2b: {  	s6 =	sld [smem:$0x3FB0]  }
0x2c: {  	s7 =	sld [smem:$0x3FB1]  }
0x2d: {  	s3 =	simm.s32 $0x108;
	s8 =	sld [smem:$0x3FB2]  }
0x2e: {  	s3 =	simm.s32 @!p0 $0x1082;
	s9 =	sld [smem:$0x3FB3]  }
0x2f: {  	lr =	sadd.s32 s0, s3;
	s0 =	sld [smem:$0x3FAA]  }
0x30: {  	s3 =	sld [smem:$0x3FAD]  }
0x31: {  	[smem:$0x3FB6] =	sst s10  }
0x32: {  	s10 =	sld [smem:$0x3FB4];
	_ =	sdelay $0x3  }
0x33: {  	p0 =	seq.s32 s10, $0x1;
	s10 =	sld [smem:$0x3FB6];
	_ =	sdelay $0x3  }
0x34: {  	[smem:$0x3FB6] =	sst s10  }
0x35: {  	s10 =	sld [smem:$0x3FB5];
	_ =	sdelay $0x3  }
0x36: {  	p1 =	seq.s32 s10, $0x1;
	s10 =	sld [smem:$0x3FB6];
	_ =	sdelay $0x3  }
0x37: {  	[smem:$0x3FB6] =	sst s10  }
0x38: {  	s10 =	sld [smem:$0x3FB7]  }
0x39: {  	_ = 	snop;
	(pc) =	sbr.ind lr, $3  }
0x3a: {  	_ = 	snop  }
0x3b: {  	_ = 	snop  }
0x3c: {  	p2 =	seq.s32 s10, $0x1;
	s10 =	sld [smem:$0x3FB6]  }
0x3d: {  	_ =	shalt  }
0x3e: {  	_ =	shalt  }
0x3f: {  	_ =	shalt  }
0x40: {  	_ =	shalt  }
0x41: {  	_ =	shalt  }
0x42: {  	_ =	shalt  }
0x43: {  	_ =	shalt  }
0x44: {  	_ =	shalt  }
0x45: {  	_ =	shalt  }
0x46: {  	_ =	shalt  }
0x47: {  	_ =	shalt  }
0x48: {  	_ =	shalt  }
0x49: {  	_ =	shalt  }
0x4a: {  	_ =	shalt  }
0x4b: {  	_ =	shalt  }
0x4c: {  	_ =	shalt  }
0x4d: {  	_ =	shalt  }
0x4e: {  	_ =	shalt  }
0x4f: {  	_ =	shalt  }
0x50: {  	_ =	shalt  }
0x51: {  	_ =	shalt  }
0x52: {  	_ =	shalt  }
0x53: {  	_ =	shalt  }
0x54: {  	_ =	shalt  }
0x55: {  	_ =	shalt  }
0x56: {  	_ =	shalt  }
0x57: {  	_ =	shalt  }
0x58: {  	_ =	shalt  }
0x59: {  	_ =	shalt  }
0x5a: {  	_ =	shalt  }
0x5b: {  	_ =	shalt  }
0x5c: {  	_ =	shalt  }
0x5d: {  	_ =	shalt  }
0x5e: {  	_ =	shalt  }
0x5f: {  	_ =	shalt  }
0x60: {  	_ =	shalt  }
0x61: {  	_ =	shalt  }
0x62: {  	_ =	shalt  }
0x63: {  	_ =	shalt  }
0x64: {  	_ =	shalt  }
0x65: {  	_ =	shalt  }
0x66: {  	_ =	shalt  }
0x67: {  	_ =	shalt  }
0x68: {  	_ =	shalt  }
0x69: {  	_ =	shalt  }
0x6a: {  	_ =	shalt  }
0x6b: {  	_ =	shalt  }
0x6c: {  	_ =	shalt  }
0x6d: {  	_ =	shalt  }
0x6e: {  	_ =	shalt  }
0x6f: {  	_ =	shalt  }
0x70: {  	_ =	shalt  }
0x71: {  	_ =	shalt  }
0x72: {  	_ =	shalt  }
0x73: {  	_ =	shalt  }
0x74: {  	_ =	shalt  }
0x75: {  	_ =	shalt  }
0x76: {  	_ =	shalt  }
0x77: {  	_ =	shalt  }
0x78: {  	_ =	shalt  }
0x79: {  	_ =	shalt  }
0x7a: {  	_ =	shalt  }
0x7b: {  	_ =	shalt  }
0x7c: {  	_ =	shalt  }
0x7d: {  	_ =	shalt  }
0x7e: {  	_ =	shalt  }
0x7f: {  	_ =	shalt  }
0x80: {  	_ =	shalt  }
0x81: {  	_ =	shalt  }
0x82: {  	_ =	shalt  }
0x83: {  	_ =	shalt  }
0x84: {  	_ =	shalt  }
0x85: {  	_ =	shalt  }
0x86: {  	_ =	shalt  }
0x87: {  	_ =	shalt  }
.Lfunc_end0:
.L_simem_size_0:
called_computation.2_lowered:
.L_overlay_start_0:
0x88: {  	s2 =	sld [smem:$0x3FD9]  }
0x89: {  	s3 =	sld [smem:$0x3FFE];
	_ =	sdelay $0x1  }
0x8a: {  	s1 =	srdreg.scid  }
0x8b: {  	s0 =	sand.u32 $0x1, s1  }
0x8c: {  	s17 =	sshll.u32 s0, $0xA;
	s2 =	sadd.s32 s3, s2  }
0x8d: {  	s2 =	sadd.s32 s2, s17  }
0x8e: {  	[smem:$0x3FC2] =	sst s2  }
0x8f: {  	_ = 	snop  }
0x90: {  	s2 =	sld [smem:$0x3FD0];
	(tm) =	ssettm $0x1  }
0x91: {  	s18 =	sld [smem:$0x3FFB];
	_ =	sdelay $0x3  }
0x92: {  	_ =	strace s18  }
0x93: {  	s3 =	sld [smem:$0x3FFC];
	_ =	sdelay $0x3  }
0x94: {  	_ =	strace s3  }
0x95: {  	s3 =	sld [smem:$0x3FFD];
	_ =	sdelay $0x3  }
0x96: {  	_ =	strace s3  }
0x97: {  	_ =	strace $0x8FFFFFFF  }
0x98: {  	s19 =	sld [smem:$0x3FDB];
	_ =	sdelay $0x1  }
0x99: {  	s4 =	simm.s32 $_scs_section_size  }
0x9a: {  	s5 =	simm.s32 $_size__tile_overlayer_lowered;
	s6 =	simm.s32 $_tile_overlayer_lowered  }
0x9b: {  	s22 =	simm.s32 $0x1BFF;
	s21 =	sshll.u32 s6, $0x1;
	s3 =	sadd.s32 s4, s19  }
0x9c: {  	s7 =	simm.s32 $0x0;
	s20 =	sshll.u32 s5, $0x1;
	s5 =	sadd.s32 s21, s3  }
0x9d: {  	[timem:s7], [sflag:s22] =	dma.local [hbm:s5], s20  }
0x9e: {  	_ =	swait.ge [sflag:s22], s20  }
0x9f: {  	s4 =	ssub.s32 $0x0, s20;
	[sflag:s22] =	ssyncset.done $0x0  }
0xa0: {  	[sflag:s22] =	ssyncadd.s32 s4;
	_ =	sdelay $0x1  }
0xa1: {  	s23 =	simm.s32 $0x1B8B  }
0xa2: {  	_ =	swait.ge [sflag:s23], $0x1  }
0xa3: {  	[sflag:s23] =	ssyncset.done $0x0  }
0xa4: {  	s25 =	simm.s32 $0x1B8E;
	s24 =	sld [smem:$0x3FFE];
	[sflag:s23] =	ssyncadd.s32 $0xFFFFFFFF  }
0xa5: {  	s26 =	simm.s32 $execute0_lowered;
	[smem:$0x3FD2] =	sst s25  }
0xa6: {  	s5 =	sshll.u32 s26, $0x1;
	_ =	strace $0x8000004C;
	[dreg:$0x1] =	wrdreg $0xFFFFFFFF  }
0xa7: {  	s28 =	simm.s32 $_size_execute0_lowered;
	s3 =	sadd.s32 s3, s5;
	[dreg:$0x0] =	wrdreg $0x0  }
0xa8: {  	s5 =	sshll.u32 s28, $0x1;
	[dreg:$0x2] =	wrdreg s3  }
0xa9: {  	[dreg:$0x3] =	wrdreg s5  }
0xaa: {  	[dreg:$0x4] =	wrdreg $0xC0  }
0xab: {  	_ =	task [dreg:s7], $0x5FFFF  }
0xac: {  	[dreg:$0x1] =	wrdreg $0xFFFFFFFF  }
0xad: {  	[dreg:$0x0] =	wrdreg $0x60  }
0xae: {  	[dreg:$0x2] =	wrdreg s24  }
0xaf: {  	[dreg:$0x3] =	wrdreg s2  }
0xb0: {  	[dreg:$0x4] =	wrdreg $0xA9000  }
0xb1: {  	[dreg:$0x5] =	wrdreg $0x9  }
0xb2: {  	_ =	task.clear_ibuf [dreg:s7], $0x6FFFF;
	_ =	strace $0x9000004C  }
0xb3: {  	s29 =	simm.s32 $0x9;
	_ =	strace $0x8000004E  }
0xb4: {  	_ =	swait.ge [sflag:s29], $0x1  }
0xb5: {  	[sflag:s29] =	ssyncadd.s32 $0xFFFFFFFF  }
0xb6: {  	_ =	strace $0x9000004E  }
0xb7: {  	_ =	sfence  }
0xb8: {  	s30 =	sld [smem:$0x0];
	_ =	sdelay $0x2  }
0xb9: {  	s31 =	sshll.u32 s1, $0xD;
	s1 =	sshrl.u32 s1, $0x2  }
0xba: {  	s3 =	sand.u32 $0x4000, s31;
	s1 =	sadd.s32 s1, s30  }
0xbb: {  	s0 =	sor.u32 s3, s0;
	s1 =	sshll.u32 s1, $0x11  }
0xbc: {  	s0 =	sor.u32 s1, s0  }
0xbd: {  	s0 =	sadd.s32 $0x8F2B, s0  }
0xbe: {  	[sflag:s0] =	ssyncadd.remote.s32 $0x1  }
0xbf: {  	_ =	sfence.sel $0xFFFF  }
0xc0: {  	[dreg:$0x0] =	wrdreg $0xFFFFFFFF;
	(pc) =	sbr.abs _section_cstart, $3  }
0xc1: {  	[dreg:$0x1] =	wrdreg $0xFFFFFFFF  }
0xc2: {  	_ =	task.clear_ibuf [dreg:s7], $0x2FFFF;
	_ =	strace $0x9FFFFFFF  }
0xc3: {  	(tm) =	ssettm $0x7FFFFFFF  }
tec
execute0_lowered:
.L_overlay_start_1:
0x0: {  	(tag) =	ssettag $0x1  }
0x1: {  	s8 =	rddreg [dreg:$0x0]  }
0x2: {  	s2 =	rddreg [dreg:$0x1]  }
0x3: {  	s0 =	srdreg.scid;
	s3 =	rddreg [dreg:$0x2];
	s5 =	simm.s32 $0x0  }
0x4: {  	s17 =	simm.s32 $0x80;
	s18 =	simm.s32 $0x6900;
	s19 =	simm.s32 $0x2880  }
0x5: {  	s20 =	simm.s32 $0x1;
	s21 =	simm.s32 $0x4;
	s22 =	simm.s32 $0x2  }
0x6: {  	s23 =	simm.s32 $0x0;
	s7 =	sand.u32 $0x1, s0;
	s0 =	stileid.u32  }
0x7: {  	[smem:$0x7FF] =	sst s5;
	s6 =	sadd.s32 $0x2A800, s8;
	s9 =	smul.u32 $0x14000, s0  }
0x8: {  	s1 =	sshll.u32 s7, $0x4;
	s10 =	smul.u32 $0x140000, s7;
	s7 =	ssub.s32 $0x2, s7  }
0x9: {  	s28 =	smul.u32 $0x50000, s0;
	s31 =	sshll.u32 s0, $0x6;
	s1 =	sor.u32 s0, s1  }
0xa: {  	s29 =	sshrl.u32 s7, $0x1;
	s4 =	smul.u32 $0x2800, s1;
	s1 =	rddreg [dreg:$0x3]  }
0xb: {  	_ =	strace $0x8000004D;
	s13 =	sshrl.u32 s9, $0x3;
	s9 =	sadd.s32 s9, s10  }
0xc: {  	s15 =	ssub.s32 s7, s29;
	s30 =	sshrl.u32 s28, $0x2;
	s9 =	sshrl.u32 s9, $0x3  }
0xd: {  	s13 =	sadd.s32 s13, s8;
	s16 =	sadd.s32 s30, s3;
	s11 =	sshrl.u32 s4, $0x3  }
0xe: {  	s14 =	sadd.s32 s9, s8;
	s12 =	sadd.s32 s11, s8;
	s8 =	sadd.s32 $0x2800, s13  }
0xf: {  	s9 =	sadd.s32 s2, s11;
	s10 =	sadd.s32 $0x85000, s14;
	s11 =	smax.u32 s15, $0x1  }
0x10: {  	s13 =	sor.u32 $0x1C03, s31;
	s14 =	sshrl.u32 s16, $0x3;
	s15 =	simm.s32 $0x2900  }
0x11: {  	s16 =	simm.s32 $0x2800;
	s7 =	sadd.s32 $0x7B000, s12;
	s12 =	simm.s32 $0x3  }
.LBB2_1:
0x12: {  	[tilespmem:s5], [sflag:$0x3] =	stream.linear.gather [hbm4b:s7+s5], $0x2780, $0x38;
	[tilespmem:$0x1E900] =	vst v63  }
0x13: {  	_ =	swait.ge [sflag:s12], $0x2780  }
0x14: {  	[sflag:s12] =	ssyncset.done $0x0  }
0x15: {  	[sflag:s12] =	ssyncadd.s32 $0xFFFFD880  }
0x16: {  	[spmem:s14], [sflag:s13] =	dma.local [hbm:s8], $0x2800  }
0x17: {  	_ =	swait.ge [sflag:s12], $0x2800  }
0x18: {  	s24 =	simm.s32 $0x0;
	[sflag:s12] =	ssyncset.done $0x0  }
0x19: {  	s25 =	simm.s32 $0x80;
	s24 =	sand.u32 $0x3C00, s24;
	[sflag:s12] =	ssyncadd.s32 $0xFFFFD800  }
0x1a: {  	s25 =	sand.u32 $0x380, s25;
	s24 =	sadd.s32 s4, s24;
	[bflag:$0x0] =	sbarrier.arrive $0xFFFF  }
0x1b: {  	[tilespmem:s15], [sflag:$0x1] =	stream.indirect.gather [hbm4b:s6+s17], $0x80, s5, s17, $0xb8;
	[tilespmem:$0x1E900] =	vst v63  }
0x1c: {  	s24 =	sor.u32 s24, s25  }
0x1d: {  	[tilespmem:s16], [sflag:$0x1] =	stream.linear.gather [hbm4b:s9+s5], $0x80, $0x38;
	[tilespmem:$0x1E900] =	vst v63  }
0x1e: {  	s24 =	sshrl.u32 s24, $0x3  }
0x1f: {  	[tilespmem:s18], [sflag:$0x2] =	stream.indirect.gather [hbm4b:s6+s17], $0x80, s17, s17, $0xb8;
	[tilespmem:$0x1E900] =	vst v63  }
0x20: {  	s24 =	sadd.s32 s2, s24  }
0x21: {  	[tilespmem:s19], [sflag:$0x2] =	stream.linear.gather [hbm4b:s24+s5], $0x80, $0x38;
	[tilespmem:$0x1E900] =	vst v63  }
0x22: {  	_ =	swait.ge [sflag:s20], $0x4000  }
0x23: {  	[sflag:s20] =	ssyncset.done $0x0  }
0x24: {  	[sflag:s20] =	ssyncadd.s32 $0xFFFFC000  }
0x25: {  	_ =	swait.ge [sflag:s20], $0x80  }
0x26: {  	s31 =	simm.s32 $0x100;
	[sflag:s20] =	ssyncset.done $0x0  }
0x27: {  	s26 =	sand.u32 $0x7C00, s31;
	[sflag:s20] =	ssyncadd.s32 $0xFFFFFF80  }
0x28: {  	[spmem:s3] =	stream.indirect.scatter.add.f32 [tilespmem:s15], [sflag:$0x4], $0x80, s16, s17, $0xb8;
	[tilespmem:$0x1E900] =	vst v63  }
0x29: {  	s25 =	sadd.s32 s4, s26;
	s24 =	sand.u32 $0x300, s31;
	_ =	swait.ge [sflag:s21], $0x4000  }
0x2a: {  	s24 =	sor.u32 s24, s25;
	[sflag:s21] =	ssyncset.done $0x0  }
0x2b: {  	s26 =	simm.s32 $0x100;
	s24 =	sshrl.u32 s24, $0x3;
	[sflag:s21] =	ssyncadd.s32 $0xFFFFC000  }
0x2c: {  	[tilespmem:s15], [sflag:$0x1] =	stream.indirect.gather [hbm4b:s6+s17], $0x80, s26, s17, $0xb8;
	[tilespmem:$0x1E900] =	vst v63  }
0x2d: {  	s24 =	sadd.s32 s2, s24  }
0x2e: {  	[tilespmem:s16], [sflag:$0x1] =	stream.linear.gather [hbm4b:s24+s5], $0x80, $0x38;
	[tilespmem:$0x1E900] =	vst v63  }
0x2f: {  	_ =	swait.ge [sflag:s22], $0x4000  }
0x30: {  	s28 =	simm.s32 $0x300;
	s30 =	simm.s32 $0x180;
	[sflag:s22] =	ssyncset.done $0x0  }
0x31: {  	s31 =	simm.s32 $0x100;
	s25 =	simm.s32 $0x200;
	[sflag:s22] =	ssyncadd.s32 $0xFFFFC000  }
0x32: {  	s29 =	sand.u32 $0x3C00, s31;
	s24 =	simm.s32 $0x180;
	_ =	swait.ge [sflag:s22], $0x80  }
.LBB2_2:
0x33: {  	s29 =	sadd.s32 s4, s29  }
0x34: {  	s30 =	sand.u32 $0x380, s30;
	[sflag:s22] =	ssyncset.done $0x0;
	s31 =	smov.u32 s28  }
0x35: {  	s26 =	sadd.s32 $0x100, s28;
	s29 =	sor.u32 s29, s30;
	[sflag:s22] =	ssyncadd.s32 $0xFFFFFF80  }
0x36: {  	[spmem:s3] =	stream.indirect.scatter.add.f32 [tilespmem:s18], [sflag:$0x3], $0x80, s19, s17, $0xb8;
	[tilespmem:$0x1E900] =	vst v63  }
0x37: {  	p0 =	sne.s32 s28, $0x2700;
	s28 =	sshrl.u32 s29, $0x3;
	_ =	swait.ge [sflag:s12], $0x4000  }
0x38: {  	[sflag:s12] =	ssyncset.done $0x0  }
0x39: {  	[sflag:s12] =	ssyncadd.s32 $0xFFFFC000  }
0x3a: {  	[tilespmem:s18], [sflag:$0x2] =	stream.indirect.gather [hbm4b:s6+s17], $0x80, s24, s17, $0xb8;
	[tilespmem:$0x1E900] =	vst v63  }
0x3b: {  	s28 =	sadd.s32 s2, s28  }
0x3c: {  	[tilespmem:s19], [sflag:$0x2] =	stream.linear.gather [hbm4b:s28+s5], $0x80, $0x38;
	[tilespmem:$0x1E900] =	vst v63  }
0x3d: {  	_ =	swait.ge [sflag:s20], $0x4000  }
0x3e: {  	[sflag:s20] =	ssyncset.done $0x0  }
0x3f: {  	[sflag:s20] =	ssyncadd.s32 $0xFFFFC000  }
0x40: {  	_ =	swait.ge [sflag:s20], $0x80  }
0x41: {  	[sflag:s20] =	ssyncset.done $0x0  }
0x42: {  	[sflag:s20] =	ssyncadd.s32 $0xFFFFFF80  }
0x43: {  	[spmem:s3] =	stream.indirect.scatter.add.f32 [tilespmem:s15], [sflag:$0x4], $0x80, s16, s17, $0xb8;
	[tilespmem:$0x1E900] =	vst v63  }
0x44: {  	s28 =	sand.u32 $0x7C00, s25;
	_ =	swait.ge [sflag:s21], $0x4000  }
0x45: {  	s25 =	sand.u32 $0x300, s25;
	s28 =	sadd.s32 s4, s28;
	[sflag:s21] =	ssyncset.done $0x0  }
0x46: {  	s29 =	sadd.s32 $0x80, s24;
	s25 =	sor.u32 s25, s28;
	[sflag:s21] =	ssyncadd.s32 $0xFFFFC000  }
0x47: {  	[tilespmem:s15], [sflag:$0x1] =	stream.indirect.gather [hbm4b:s6+s17], $0x80, s29, s17, $0xb8;
	[tilespmem:$0x1E900] =	vst v63  }
0x48: {  	s28 =	sshrl.u32 s25, $0x3;
	s25 =	smov.u32 s31  }
0x49: {  	s28 =	sadd.s32 s2, s28  }
0x4a: {  	[tilespmem:s16], [sflag:$0x1] =	stream.linear.gather [hbm4b:s28+s5], $0x80, $0x38;
	[tilespmem:$0x1E900] =	vst v63  }
.Ltmp0:
0x4b: {  	_ = 	snop;
	(pc) =	sbr.rel @p0 .LBB2_2-.Ltmp0, $4  }
0x4c: {  	_ =	swait.ge [sflag:s22], $0x4000  }
0x4d: {  	s24 =	sadd.s32 $0x100, s24;
	[sflag:s22] =	ssyncset.done $0x0  }
0x4e: {  	s30 =	sadd.s32 $0xFFFFFF80, s25;
	s28 =	sadd.s32 $0xFFFFFF00, s25;
	[sflag:s22] =	ssyncadd.s32 $0xFFFFC000  }
0x4f: {  	s29 =	sand.u32 $0x3C00, s28;
	s28 =	smov.u32 s26;
	_ =	swait.ge [sflag:s22], $0x80  }
0x50: {  	[sflag:s22] =	ssyncset.done $0x0  }
0x51: {  	[sflag:s22] =	ssyncadd.s32 $0xFFFFFF80  }
0x52: {  	[spmem:s3] =	stream.indirect.scatter.add.f32 [tilespmem:s18], [sflag:$0x3], $0x80, s19, s17, $0xb8;
	[tilespmem:$0x1E900] =	vst v63  }
0x53: {  	s26 =	sadd.s32 s4, s29;
	s28 =	sand.u32 $0x380, s30;
	_ =	swait.ge [sflag:s12], $0x4000  }
0x54: {  	s26 =	sor.u32 s26, s28;
	[sflag:s12] =	ssyncset.done $0x0  }
0x55: {  	s26 =	sshrl.u32 s26, $0x3;
	[sflag:s12] =	ssyncadd.s32 $0xFFFFC000  }
0x56: {  	[tilespmem:s18], [sflag:$0x2] =	stream.indirect.gather [hbm4b:s6+s17], $0x80, s24, s17, $0xb8;
	[tilespmem:$0x1E900] =	vst v63  }
0x57: {  	s26 =	sadd.s32 s2, s26  }
0x58: {  	[tilespmem:s19], [sflag:$0x2] =	stream.linear.gather [hbm4b:s26+s5], $0x80, $0x38;
	[tilespmem:$0x1E900] =	vst v63  }
0x59: {  	_ =	swait.ge [sflag:s20], $0x4000  }
0x5a: {  	[sflag:s20] =	ssyncset.done $0x0  }
0x5b: {  	[sflag:s20] =	ssyncadd.s32 $0xFFFFC000  }
0x5c: {  	_ =	swait.ge [sflag:s20], $0x80  }
0x5d: {  	[sflag:s20] =	ssyncset.done $0x0  }
0x5e: {  	s28 =	sand.u32 $0x7C00, s25;
	[sflag:s20] =	ssyncadd.s32 $0xFFFFFF80  }
0x5f: {  	[spmem:s3] =	stream.indirect.scatter.add.f32 [tilespmem:s15], [sflag:$0x4], $0x80, s16, s17, $0xb8;
	[tilespmem:$0x1E900] =	vst v63  }
0x60: {  	s29 =	sand.u32 $0x300, s25;
	s26 =	sadd.s32 s4, s28;
	_ =	swait.ge [sflag:s21], $0x4000  }
0x61: {  	s25 =	sor.u32 s29, s26;
	[sflag:s21] =	ssyncset.done $0x0  }
0x62: {  	s30 =	sadd.s32 $0x80, s24;
	s31 =	sshrl.u32 s25, $0x3;
	[sflag:s21] =	ssyncadd.s32 $0xFFFFC000  }
0x63: {  	[tilespmem:s15], [sflag:$0x1] =	stream.indirect.gather [hbm4b:s6+s17], $0x80, s30, s17, $0xb8;
	[tilespmem:$0x1E900] =	vst v63  }
0x64: {  	s24 =	sadd.s32 s2, s31  }
0x65: {  	[tilespmem:s16], [sflag:$0x1] =	stream.linear.gather [hbm4b:s24+s5], $0x80, $0x38;
	[tilespmem:$0x1E900] =	vst v63  }
0x66: {  	_ =	swait.ge [sflag:s22], $0x4000  }
0x67: {  	[sflag:s22] =	ssyncset.done $0x0  }
0x68: {  	[sflag:s22] =	ssyncadd.s32 $0xFFFFC000  }
0x69: {  	_ =	swait.ge [sflag:s22], $0x80  }
0x6a: {  	[sflag:s22] =	ssyncset.done $0x0  }
0x6b: {  	[sflag:s22] =	ssyncadd.s32 $0xFFFFFF80  }
0x6c: {  	[spmem:s3] =	stream.indirect.scatter.add.f32 [tilespmem:s18], [sflag:$0x3], $0x80, s19, s17, $0xb8;
	[tilespmem:$0x1E900] =	vst v63  }
0x6d: {  	_ =	swait.ge [sflag:s12], $0x4000  }
0x6e: {  	[sflag:s12] =	ssyncset.done $0x0  }
0x6f: {  	[sflag:s12] =	ssyncadd.s32 $0xFFFFC000  }
0x70: {  	_ =	swait.ge [sflag:s20], $0x4000  }
0x71: {  	[sflag:s20] =	ssyncset.done $0x0  }
0x72: {  	[sflag:s20] =	ssyncadd.s32 $0xFFFFC000  }
0x73: {  	_ =	swait.ge [sflag:s20], $0x80  }
0x74: {  	[sflag:s20] =	ssyncset.done $0x0  }
0x75: {  	[sflag:s20] =	ssyncadd.s32 $0xFFFFFF80  }
0x76: {  	[spmem:s3] =	stream.indirect.scatter.add.f32 [tilespmem:s15], [sflag:$0x4], $0x80, s16, s17, $0xb8;
	[tilespmem:$0x1E900] =	vst v63  }
0x77: {  	_ =	swait.ge [sflag:s21], $0x4000  }
0x78: {  	s23 =	sadd.s32 $0x1, s23;
	[sflag:s21] =	ssyncset.done $0x0  }
0x79: {  	p0 =	sne.s32 s23, s11;
	[sflag:s21] =	ssyncadd.s32 $0xFFFFC000  }
.Ltmp1:
0x7a: {  	[bflag:$0x0] =	sbarrier.arrive $0xFFFF;
	(pc) =	sbr.rel @p0 .LBB2_1-.Ltmp1, $4  }
0x7b: {  	[hbm:s10], [sflag:s13] =	dma.local [spmem:s14], $0x2800  }
0x7c: {  	_ =	swait.ge [sflag:s12], $0x2800  }
0x7d: {  	[sflag:s12] =	ssyncset.done $0x0  }
0x7e: {  	[sflag:s12] =	ssyncadd.s32 $0xFFFFD800  }
0x7f: {  	_ =	sfence.sel $0x180000  }
0x80: {  	[bflag:$0x0] =	sbarrier.arrive $0xFFFF  }
0x81: {  	p0 =	sne.s32 s0, $0x0;
	_ =	strace $0x9000004D  }
0x82: {  	s0 =	sadd.s32 @!p0 $0x100000, s1;
	[bflag:$0x2] =	sbarrier.arrive $0xFFFF  }
0x83: {  	[sflag:s0] =	ssyncadd.tile.s32 @!p0 $0x1;
	_ =	shalt  }
.Lfunc_end2:
_tile_overlayer_lowered:
.L_overlay_start_2:
0x84: {  	(tag) =	ssettag $0x2  }
0x85: {  	s0 =	rddreg [dreg:$0x0];
	s2 =	stileid.u32  }
0x86: {  	s1 =	rddreg [dreg:$0x1];
	p0 =	sne.s32 s2, $0x0  }
0x87: {  	s3 =	rddreg [dreg:$0x2];
	[bflag:$0x3] =	sbarrier.arrive $0xFFFF;
	s2 =	simm.s32 @!p0 $0x1C03  }
0x88: {  	[timem:s3], [sflag:s2] =	dma.local @!p0 [hbm:s0], s1  }
0x89: {  	s0 =	simm.s32 @!p0 $0x3  }
0x8a: {  	_ =	swait.ge @!p0 [sflag:s0], s1  }
0x8b: {  	s1 =	ssub.s32 @!p0 $0x0, s1;
	[sflag:s0] =	ssyncset.done @!p0 $0x0  }
0x8c: {  	[sflag:s0] =	ssyncadd.s32 @!p0 s1  }
0x8d: {  	[bflag:$0x3] =	sbarrier.arrive $0xFFFF  }
0x8e: {  	_ =	shalt  }

// kernel: kernel.9.cloned.1.call-start
scs
__scs_entry_jumppad:
0x0: {  	(pc) =	sbr.rel $0x88, $3  }
0x1: {  	(tag) =	ssettag $0x0;
	lr =	simm.s32 $0x1  }
0x2: {  	[smem:$0x3F9B] =	sst lr;
	_ =	strace $0xD0000000  }
0x3: {  	_ = 	snop  }
0x4: {  	_ = 	snop  }
0x5: {  	_ = 	snop  }
0x6: {  	_ = 	snop  }
0x7: {  	_ = 	snop  }
__scs_overlays_trampoline_lowered:
0x8: {  	[smem:$0x3FAA] =	sst s0  }
0x9: {  	[smem:$0x3FAB] =	sst s1  }
0xa: {  	[smem:$0x3FAC] =	sst s2  }
0xb: {  	[smem:$0x3FAD] =	sst s3  }
0xc: {  	[smem:$0x3FAE] =	sst s4  }
0xd: {  	[smem:$0x3FAF] =	sst s5  }
0xe: {  	[smem:$0x3FB0] =	sst s6  }
0xf: {  	[smem:$0x3FB1] =	sst s7  }
0x10: {  	[smem:$0x3FB2] =	sst s8  }
0x11: {  	[smem:$0x3FB3] =	sst s9;
	s0 =	simm.s32 @!p0 $0x0  }
0x12: {  	s1 =	sld [smem:$0x3F99];
	s0 =	simm.s32 @p0 $0x1  }
0x13: {  	[smem:$0x3FB4] =	sst s0;
	s0 =	simm.s32 @!p1 $0x0  }
0x14: {  	s2 =	sld [smem:$0x3F98];
	s0 =	simm.s32 @p1 $0x1  }
0x15: {  	[smem:$0x3FB5] =	sst s0;
	s0 =	simm.s32 @!p2 $0x0  }
0x16: {  	s3 =	sld [smem:$0x3FDB];
	s0 =	simm.s32 @p2 $0x1  }
0x17: {  	s4 =	simm.s32 $0x1BF5;
	[smem:$0x3FB7] =	sst s0  }
0x18: {  	s0 =	sld [smem:$0x3F9A];
	_ =	swait.ge [sflag:s4], $0x0  }
0x19: {  	s7 =	sld [smem:$0x3F9B]  }
0x1a: {  	s8 =	sadd.s32 $0xFFFFE003, lr  }
0x1b: {  	s9 =	sadd.s32 $0xFFFFFEF7, lr;
	s5 =	simm.s32 $0xFFFFFFFF;
	p2 =	slt.u32 s8, $0xFFFFF086  }
0x1c: {  	p1 =	slt.u32 s9, $0xF7A;
	s5 =	simm.s32 @!p2 $0x0  }
0x1d: {  	s5 =	simm.s32 @p1 $0x1;
	p0 =	seq.s32 s7, s2  }
0x1e: {  	s7 =	smul.u32 @!p0 $0xF7A, s2;
	p2 =	seq.s32 @!p0 s5, $0x0  }
0x1f: {  	s9 =	smul.u32 $0xF7A, s1;
	s8 =	simm.s32 @!p0 $0x1BF5;
	p2 =	por !p2, p0  }
0x20: {  	[sflag:s8] =	ssyncset.s32 @!p0 $0xFFFFF086;
	s6 =	sadd.s32 @!p0 s3, s7;
	s7 =	simm.s32 @!p0 $0x108  }
0x21: {  	s3 =	sadd.s32 s3, s9;
	s6 =	sadd.s32 @!p0 $0x88, s6;
	s7 =	simm.s32 @p2 $0x1082  }
0x22: {  	[simem:s7], [sflag:s8] =	dma.local @!p0 [hbm:s6], $0xF7A  }
0x23: {  	s9 =	sor.u32 $0xD0000000, s2;
	s6 =	simm.s32 $0x108;
	_ =	swait.ge @!p0 [sflag:s8], $0x0  }
0x24: {  	s3 =	sadd.s32 $0x88, s3;
	s6 =	simm.s32 @!p1 $0x1082;
	[sflag:s4] =	ssyncset.s32 $0xFFFFF086  }
0x25: {  	[simem:s6], [sflag:s4] =	dma.local [hbm:s3], $0xF7A  }
0x26: {  	[smem:$0x3F9B] =	sst s1;
	(tag) =	ssettag s2;
	_ =	strace s9  }
0x27: {  	s1 =	sld [smem:$0x3FAB]  }
0x28: {  	s2 =	sld [smem:$0x3FAC]  }
0x29: {  	s4 =	sld [smem:$0x3FAE]  }
0x2a: {  	p0 =	seq.s32 s5, $0x0;
	s5 =	sld [smem:$0x3FAF]  }
0x2b: {  	s6 =	sld [smem:$0x3FB0]  }
0x2c: {  	s7 =	sld [smem:$0x3FB1]  }
0x2d: {  	s3 =	simm.s32 $0x108;
	s8 =	sld [smem:$0x3FB2]  }
0x2e: {  	s3 =	simm.s32 @!p0 $0x1082;
	s9 =	sld [smem:$0x3FB3]  }
0x2f: {  	lr =	sadd.s32 s0, s3;
	s0 =	sld [smem:$0x3FAA]  }
0x30: {  	s3 =	sld [smem:$0x3FAD]  }
0x31: {  	[smem:$0x3FB6] =	sst s10  }
0x32: {  	s10 =	sld [smem:$0x3FB4];
	_ =	sdelay $0x3  }
0x33: {  	p0 =	seq.s32 s10, $0x1;
	s10 =	sld [smem:$0x3FB6];
	_ =	sdelay $0x3  }
0x34: {  	[smem:$0x3FB6] =	sst s10  }
0x35: {  	s10 =	sld [smem:$0x3FB5];
	_ =	sdelay $0x3  }
0x36: {  	p1 =	seq.s32 s10, $0x1;
	s10 =	sld [smem:$0x3FB6];
	_ =	sdelay $0x3  }
0x37: {  	[smem:$0x3FB6] =	sst s10  }
0x38: {  	s10 =	sld [smem:$0x3FB7]  }
0x39: {  	_ = 	snop;
	(pc) =	sbr.ind lr, $3  }
0x3a: {  	_ = 	snop  }
0x3b: {  	_ = 	snop  }
0x3c: {  	p2 =	seq.s32 s10, $0x1;
	s10 =	sld [smem:$0x3FB6]  }
0x3d: {  	_ =	shalt  }
0x3e: {  	_ =	shalt  }
0x3f: {  	_ =	shalt  }
0x40: {  	_ =	shalt  }
0x41: {  	_ =	shalt  }
0x42: {  	_ =	shalt  }
0x43: {  	_ =	shalt  }
0x44: {  	_ =	shalt  }
0x45: {  	_ =	shalt  }
0x46: {  	_ =	shalt  }
0x47: {  	_ =	shalt  }
0x48: {  	_ =	shalt  }
0x49: {  	_ =	shalt  }
0x4a: {  	_ =	shalt  }
0x4b: {  	_ =	shalt  }
0x4c: {  	_ =	shalt  }
0x4d: {  	_ =	shalt  }
0x4e: {  	_ =	shalt  }
0x4f: {  	_ =	shalt  }
0x50: {  	_ =	shalt  }
0x51: {  	_ =	shalt  }
0x52: {  	_ =	shalt  }
0x53: {  	_ =	shalt  }
0x54: {  	_ =	shalt  }
0x55: {  	_ =	shalt  }
0x56: {  	_ =	shalt  }
0x57: {  	_ =	shalt  }
0x58: {  	_ =	shalt  }
0x59: {  	_ =	shalt  }
0x5a: {  	_ =	shalt  }
0x5b: {  	_ =	shalt  }
0x5c: {  	_ =	shalt  }
0x5d: {  	_ =	shalt  }
0x5e: {  	_ =	shalt  }
0x5f: {  	_ =	shalt  }
0x60: {  	_ =	shalt  }
0x61: {  	_ =	shalt  }
0x62: {  	_ =	shalt  }
0x63: {  	_ =	shalt  }
0x64: {  	_ =	shalt  }
0x65: {  	_ =	shalt  }
0x66: {  	_ =	shalt  }
0x67: {  	_ =	shalt  }
0x68: {  	_ =	shalt  }
0x69: {  	_ =	shalt  }
0x6a: {  	_ =	shalt  }
0x6b: {  	_ =	shalt  }
0x6c: {  	_ =	shalt  }
0x6d: {  	_ =	shalt  }
0x6e: {  	_ =	shalt  }
0x6f: {  	_ =	shalt  }
0x70: {  	_ =	shalt  }
0x71: {  	_ =	shalt  }
0x72: {  	_ =	shalt  }
0x73: {  	_ =	shalt  }
0x74: {  	_ =	shalt  }
0x75: {  	_ =	shalt  }
0x76: {  	_ =	shalt  }
0x77: {  	_ =	shalt  }
0x78: {  	_ =	shalt  }
0x79: {  	_ =	shalt  }
0x7a: {  	_ =	shalt  }
0x7b: {  	_ =	shalt  }
0x7c: {  	_ =	shalt  }
0x7d: {  	_ =	shalt  }
0x7e: {  	_ =	shalt  }
0x7f: {  	_ =	shalt  }
0x80: {  	_ =	shalt  }
0x81: {  	_ =	shalt  }
0x82: {  	_ =	shalt  }
0x83: {  	_ =	shalt  }
0x84: {  	_ =	shalt  }
0x85: {  	_ =	shalt  }
0x86: {  	_ =	shalt  }
0x87: {  	_ =	shalt  }
.Lfunc_end0:
.L_simem_size_0:
called_computation_lowered:
.L_overlay_start_0:
0x88: {  	s2 =	sld [smem:$0x3FD9]  }
0x89: {  	s3 =	sld [smem:$0x3FFE];
	_ =	sdelay $0x1  }
0x8a: {  	s1 =	srdreg.scid  }
0x8b: {  	s0 =	sand.u32 $0x1, s1  }
0x8c: {  	s17 =	sshll.u32 s0, $0xA;
	s2 =	sadd.s32 s3, s2  }
0x8d: {  	s2 =	sadd.s32 s2, s17  }
0x8e: {  	[smem:$0x3FC2] =	sst s2  }
0x8f: {  	_ = 	snop  }
0x90: {  	s2 =	sld [smem:$0x3FD0];
	(tm) =	ssettm $0x1  }
0x91: {  	s18 =	sld [smem:$0x3FFB];
	_ =	sdelay $0x3  }
0x92: {  	_ =	strace s18  }
0x93: {  	s3 =	sld [smem:$0x3FFC];
	_ =	sdelay $0x3  }
0x94: {  	_ =	strace s3  }
0x95: {  	s3 =	sld [smem:$0x3FFD];
	_ =	sdelay $0x3  }
0x96: {  	_ =	strace s3  }
0x97: {  	_ =	strace $0x8FFFFFFF  }
0x98: {  	s19 =	sld [smem:$0x3FDB];
	_ =	sdelay $0x1  }
0x99: {  	s4 =	simm.s32 $_scs_section_size  }
0x9a: {  	s5 =	simm.s32 $_size__tile_overlayer_lowered;
	s6 =	simm.s32 $_tile_overlayer_lowered  }
0x9b: {  	s22 =	simm.s32 $0x1BFF;
	s21 =	sshll.u32 s6, $0x1;
	s3 =	sadd.s32 s4, s19  }
0x9c: {  	s7 =	simm.s32 $0x0;
	s20 =	sshll.u32 s5, $0x1;
	s5 =	sadd.s32 s21, s3  }
0x9d: {  	[timem:s7], [sflag:s22] =	dma.local [hbm:s5], s20  }
0x9e: {  	_ =	swait.ge [sflag:s22], s20  }
0x9f: {  	s4 =	ssub.s32 $0x0, s20;
	[sflag:s22] =	ssyncset.done $0x0  }
0xa0: {  	[sflag:s22] =	ssyncadd.s32 s4;
	_ =	sdelay $0x1  }
0xa1: {  	s23 =	simm.s32 $0x1B8B  }
0xa2: {  	_ =	swait.ge [sflag:s23], $0x1  }
0xa3: {  	[sflag:s23] =	ssyncset.done $0x0  }
0xa4: {  	s25 =	simm.s32 $0x1B8E;
	s24 =	sld [smem:$0x3FFE];
	[sflag:s23] =	ssyncadd.s32 $0xFFFFFFFF  }
0xa5: {  	s26 =	simm.s32 $execute0_lowered;
	[smem:$0x3FD2] =	sst s25  }
0xa6: {  	s5 =	sshll.u32 s26, $0x1;
	_ =	strace $0x80000046;
	[dreg:$0x1] =	wrdreg $0xFFFFFFFF  }
0xa7: {  	s28 =	simm.s32 $_size_execute0_lowered;
	s3 =	sadd.s32 s3, s5;
	[dreg:$0x0] =	wrdreg $0x0  }
0xa8: {  	s5 =	sshll.u32 s28, $0x1;
	[dreg:$0x2] =	wrdreg s3  }
0xa9: {  	[dreg:$0x3] =	wrdreg s5  }
0xaa: {  	[dreg:$0x4] =	wrdreg $0xC0  }
0xab: {  	_ =	task [dreg:s7], $0x5FFFF  }
0xac: {  	[dreg:$0x1] =	wrdreg $0xFFFFFFFF  }
0xad: {  	[dreg:$0x0] =	wrdreg $0x60  }
0xae: {  	[dreg:$0x2] =	wrdreg s2  }
0xaf: {  	[dreg:$0x3] =	wrdreg s24  }
0xb0: {  	[dreg:$0x4] =	wrdreg $0x68000  }
0xb1: {  	[dreg:$0x5] =	wrdreg $0x9  }
0xb2: {  	_ =	task.clear_ibuf [dreg:s7], $0x6FFFF;
	_ =	strace $0x90000046  }
0xb3: {  	s29 =	simm.s32 $0x9;
	_ =	strace $0x80000048  }
0xb4: {  	_ =	swait.ge [sflag:s29], $0x1  }
0xb5: {  	[sflag:s29] =	ssyncadd.s32 $0xFFFFFFFF  }
0xb6: {  	_ =	strace $0x90000048  }
0xb7: {  	_ =	sfence  }
0xb8: {  	s30 =	sld [smem:$0x0];
	_ =	sdelay $0x2  }
0xb9: {  	s31 =	sshll.u32 s1, $0xD;
	s1 =	sshrl.u32 s1, $0x2  }
0xba: {  	s3 =	sand.u32 $0x4000, s31;
	s1 =	sadd.s32 s1, s30  }
0xbb: {  	s0 =	sor.u32 s3, s0;
	s1 =	sshll.u32 s1, $0x11  }
0xbc: {  	s0 =	sor.u32 s1, s0  }
0xbd: {  	s0 =	sadd.s32 $0x8F2B, s0  }
0xbe: {  	[sflag:s0] =	ssyncadd.remote.s32 $0x1  }
0xbf: {  	_ =	sfence.sel $0xFFFF  }
0xc0: {  	[dreg:$0x0] =	wrdreg $0xFFFFFFFF;
	(pc) =	sbr.abs _section_cstart, $3  }
0xc1: {  	[dreg:$0x1] =	wrdreg $0xFFFFFFFF  }
0xc2: {  	_ =	task.clear_ibuf [dreg:s7], $0x2FFFF;
	_ =	strace $0x9FFFFFFF  }
0xc3: {  	(tm) =	ssettm $0x7FFFFFFF  }
tec
execute0_lowered:
.L_overlay_start_1:
0x0: {  	(tag) =	ssettag $0x1  }
0x1: {  	s7 =	rddreg [dreg:$0x0]  }
0x2: {  	s5 =	rddreg [dreg:$0x1];
	s0 =	stileid.u32  }
0x3: {  	s1 =	srdreg.scid;
	s2 =	rddreg [dreg:$0x2]  }
0x4: {  	s3 =	simm.s32 $0x0;
	s13 =	simm.s32 $0x80;
	s14 =	simm.s32 $0x0  }
0x5: {  	s4 =	smul.u32 $0x14000, s0;
	s6 =	sand.u32 $0x1, s1;
	s1 =	rddreg [dreg:$0x3]  }
0x6: {  	[smem:$0x7FF] =	sst s3;
	s11 =	smul.u32 $0x50000, s0;
	s31 =	sshll.u32 s0, $0x6  }
0x7: {  	s8 =	smul.u32 $0x140000, s6;
	_ =	strace $0x80000047;
	s10 =	ssub.s32 $0x2, s6  }
0x8: {  	s6 =	sshll.u32 s6, $0x4;
	s9 =	sshrl.u32 s4, $0x3;
	s28 =	sshrl.u32 s10, $0x1  }
0x9: {  	s6 =	sor.u32 s0, s6;
	s29 =	sshrl.u32 s11, $0x2;
	s11 =	simm.s32 $0x1  }
0xa: {  	s8 =	sadd.s32 s4, s8;
	s4 =	sadd.s32 $0x2A800, s5;
	s9 =	sadd.s32 s9, s5  }
0xb: {  	s10 =	ssub.s32 s10, s28;
	s30 =	smul.u32 $0x500, s6;
	s8 =	sshrl.u32 s8, $0x3  }
0xc: {  	s12 =	sadd.s32 s29, s2;
	s6 =	sor.u32 $0x1C01, s31;
	s8 =	sadd.s32 s8, s5  }
0xd: {  	s5 =	sadd.s32 $0x2800, s9;
	s7 =	sadd.s32 s7, s30;
	s9 =	smax.u32 s10, $0x1  }
0xe: {  	s10 =	sshrl.u32 s12, $0x3;
	s12 =	simm.s32 $0x2800;
	s8 =	sadd.s32 $0x2B000, s8  }
.LBB2_1:
0xf: {  	[spmem:s10], [sflag:s6] =	dma.local [hbm:s5], $0x2800  }
0x10: {  	_ =	swait.ge [sflag:s11], $0x2800  }
0x11: {  	[sflag:s11] =	ssyncset.done $0x0  }
0x12: {  	[sflag:s11] =	ssyncadd.s32 $0xFFFFD800  }
0x13: {  	[tilespmem:s3], [sflag:$0x1] =	stream.linear.gather [hbm4b:s7+s3], $0x2780, $0x38;
	[tilespmem:$0x1A800] =	vst v63  }
0x14: {  	_ =	swait.ge [sflag:s11], $0x2780  }
0x15: {  	[sflag:s11] =	ssyncset.done $0x0  }
0x16: {  	[sflag:s11] =	ssyncadd.s32 $0xFFFFD880  }
0x17: {  	[tilespmem:s12], [sflag:$0x1] =	stream.linear.gather [hbm4b:s4+s3], $0x4000, $0x38;
	[tilespmem:$0x1A800] =	vst v63  }
0x18: {  	_ =	swait.ge [sflag:s11], $0x4000  }
0x19: {  	[sflag:s11] =	ssyncset.done $0x0  }
0x1a: {  	[sflag:s11] =	ssyncadd.s32 $0xFFFFC000  }
0x1b: {  	s15 =	simm.s32 $0x0;
	[bflag:$0x0] =	sbarrier.arrive $0xFFFF  }
0x1c: {  	[spmem:s2] =	stream.indirect.scatter.add.f32 [tilespmem:s12], [sflag:$0x1], $0x80, s15, s13, $0xb8;
	[tilespmem:$0x1A800] =	vst v63  }
0x1d: {  	_ =	swait.ge [sflag:s11], $0x4000  }
0x1e: {  	s15 =	simm.s32 $0x200;
	[sflag:s11] =	ssyncset.done $0x0  }
.LBB2_2:
0x1f: {  	s16 =	sshra.s32 s15, $0x2;
	[sflag:s11] =	ssyncadd.s32 $0xFFFFC000;
	p0 =	sne.s32 s15, $0x9C00  }
0x20: {  	[spmem:s2] =	stream.indirect.scatter.add.f32 [tilespmem:s12], [sflag:$0x1], $0x80, s16, s13, $0xb8;
	[tilespmem:$0x1A800] =	vst v63  }
.Ltmp0:
0x21: {  	_ = 	snop;
	(pc) =	sbr.rel @p0 .LBB2_2-.Ltmp0, $4  }
0x22: {  	_ = 	snop  }
0x23: {  	s15 =	sadd.s32 $0x200, s15  }
0x24: {  	_ =	swait.ge [sflag:s11], $0x4000  }
0x25: {  	[sflag:s11] =	ssyncset.done $0x0  }
0x26: {  	s14 =	sadd.s32 $0x1, s14  }
0x27: {  	[sflag:s11] =	ssyncadd.s32 $0xFFFFC000;
	p0 =	sne.s32 s14, s9  }
.Ltmp1:
0x28: {  	[bflag:$0x0] =	sbarrier.arrive $0xFFFF;
	(pc) =	sbr.rel @p0 .LBB2_1-.Ltmp1, $4  }
0x29: {  	[hbm:s8], [sflag:s6] =	dma.local [spmem:s10], $0x2800  }
0x2a: {  	_ =	swait.ge [sflag:s11], $0x2800  }
0x2b: {  	[sflag:s11] =	ssyncset.done $0x0  }
0x2c: {  	[sflag:s11] =	ssyncadd.s32 $0xFFFFD800  }
0x2d: {  	_ =	sfence.sel $0x180000  }
0x2e: {  	[bflag:$0x0] =	sbarrier.arrive $0xFFFF  }
0x2f: {  	p0 =	sne.s32 s0, $0x0;
	_ =	strace $0x90000047  }
0x30: {  	s0 =	sadd.s32 @!p0 $0x100000, s1;
	[bflag:$0x2] =	sbarrier.arrive $0xFFFF  }
0x31: {  	[sflag:s0] =	ssyncadd.tile.s32 @!p0 $0x1;
	_ =	shalt  }
.Lfunc_end2:
_tile_overlayer_lowered:
.L_overlay_start_2:
0x32: {  	(tag) =	ssettag $0x2  }
0x33: {  	s0 =	rddreg [dreg:$0x0];
	s2 =	stileid.u32  }
0x34: {  	s1 =	rddreg [dreg:$0x1];
	p0 =	sne.s32 s2, $0x0  }
0x35: {  	s3 =	rddreg [dreg:$0x2];
	[bflag:$0x3] =	sbarrier.arrive $0xFFFF;
	s2 =	simm.s32 @!p0 $0x1C01  }
0x36: {  	[timem:s3], [sflag:s2] =	dma.local @!p0 [hbm:s0], s1  }
0x37: {  	s0 =	simm.s32 @!p0 $0x1  }
0x38: {  	_ =	swait.ge @!p0 [sflag:s0], s1  }
0x39: {  	s1 =	ssub.s32 @!p0 $0x0, s1;
	[sflag:s0] =	ssyncset.done @!p0 $0x0  }
0x3a: {  	[sflag:s0] =	ssyncadd.s32 @!p0 s1  }
0x3b: {  	[bflag:$0x3] =	sbarrier.arrive $0xFFFF  }
0x3c: {  	_ =	shalt  }

</sc_bundles>
